<compile_context>
chip_gen: v7x
topology: tpu7x:2x2x1
jax: 0.10.2.dev20260603
libtpu: 0.0.44.dev20260713+nightly
codegen_flags: <defaults>
</compile_context>

<pallas_src>
import functools

import jax
import jax.numpy as jnp
from jax import lax
from jax.experimental import pallas as pl
from jax.experimental.pallas import tpu as pltpu
from jax.experimental.pallas import tpu_sc as plsc

B, S, D = 256, 128, 1024
N_BAGS = 32
N_CLASS = 53
VOCAB = 40478
CLF_IDX = VOCAB - 1

_L = 16
_MESH_CORES = 1
_NW_USED = 16
_SENT_W = B // _NW_USED


def _sc_gather_body(bp_hbm, h_hbm, out_hbm, bp_v, idx_v, rows_v, sem):
    wid = lax.axis_index("s") * _MESH_CORES + lax.axis_index("c")
    base = wid * _SENT_W
    pltpu.sync_copy(bp_hbm.at[pl.ds(base * S, _SENT_W * S)], bp_v)
    lane = lax.iota(jnp.int32, 16)
    flat_idx = jnp.zeros((16,), jnp.int32)
    for s_i in range(_SENT_W):
        acc = jnp.zeros((16,), jnp.int32)
        for c in range(S // _L):
            v = bp_v[pl.ds(s_i * S + c * _L, _L)]
            acc = acc + jnp.where(v == CLF_IDX, lane + c * _L, 0)
        pos_s = jnp.sum(acc)
        flat_idx = jnp.where(lane == s_i, (base + s_i) * S + pos_s, flat_idx)
    idx_v[...] = flat_idx
    pltpu.async_copy(h_hbm.at[idx_v], rows_v, sem).wait()
    pltpu.sync_copy(rows_v, out_hbm.at[pl.ds(base, _SENT_W)])


@functools.cache
def _sc_gather():
    return pl.kernel(
        _sc_gather_body,
        out_type=jax.ShapeDtypeStruct((B, D), jnp.float32),
        mesh=plsc.VectorSubcoreMesh(core_axis_name="c", subcore_axis_name="s",
                                    num_cores=_MESH_CORES),
        compiler_params=pltpu.CompilerParams(needs_layout_passes=False),
        scratch_types=[
            pltpu.VMEM((_SENT_W * S,), jnp.int32),
            pltpu.VMEM((_SENT_W,), jnp.int32),
            pltpu.VMEM((_SENT_W, D), jnp.float32),
            pltpu.SemaphoreType.DMA,
        ],
    )


def _tc_head_body(clf_ref, scopes_ref, w_ref, b_ref, out_ref):
    starts = scopes_ref[:, 0:1]
    ends = scopes_ref[:, 1:2]
    col = lax.broadcasted_iota(jnp.int32, (N_BAGS, B), 1)
    sel = jnp.where((col >= starts) & (col < ends), 1.0, 0.0)
    inv_len = 1.0 / (ends - starts).astype(jnp.float32)
    bag = jnp.dot(sel * inv_len, clf_ref[...],
                  preferred_element_type=jnp.float32)
    out_ref[...] = jnp.dot(bag, w_ref[...],
                           preferred_element_type=jnp.float32) + b_ref[...]


def kernel(byte_pairs, sentence_encoded, scopes, label, W, b):
    del label
    bp_flat = byte_pairs.astype(jnp.int32).reshape(B * S)
    h_flat = sentence_encoded.reshape(B * S, D)
    clf_h = _sc_gather()(bp_flat, h_flat)
    clf_logits = pl.pallas_call(
        _tc_head_body,
        out_shape=jax.ShapeDtypeStruct((N_BAGS, N_CLASS), jnp.float32),
    )(clf_h, scopes.astype(jnp.int32), W, b.reshape(1, N_CLASS))
    return (clf_logits, clf_h)

# --- scband reference (transcript-rebuilt; emitter-appended) ---
"""Pipeline reference for scband-bag-classification-head-7816840478808 (READ-ONLY COPY).

The authoritative reference and input builder live on the scoring server;
editing this copy changes nothing except your own understanding.
"""

import jax, jax.numpy as jnp
import numpy as np

B, S, D = 256, 128, 1024
N_BAGS, BAG_SIZE = 32, 8  # B == N_BAGS * BAG_SIZE
N_CLASS = 53
VOCAB = 40478
CLF_IDX = VOCAB - 1  # encoder_vocab[clf_token]


def setup_inputs(seed: int = 0) -> dict:
    key = jax.random.key(seed)
    k1, k2, k3, k4 = jax.random.split(key, 4)
    # byte pairs: random tokens, guaranteed exactly one CLF token per sentence (last position)
    byte_pairs = jax.random.randint(k1, (B, S), 0, CLF_IDX).astype(jnp.int64)
    byte_pairs = byte_pairs.at[:, -1].set(CLF_IDX)
    sentence_encoded = jax.random.normal(k2, (B, S, D), dtype=jnp.float32)
    # contiguous bag scopes [(0,8),(8,16),...]
    starts = jnp.arange(N_BAGS, dtype=jnp.int32) * BAG_SIZE
    scopes = jnp.stack([starts, starts + BAG_SIZE], axis=1)
    label = jax.random.randint(k3, (N_BAGS,), 0, N_CLASS).astype(jnp.int64)
    # Average-selector classifier params (nn.Linear(n_embd, n_class))
    W = jax.random.normal(k4, (D, N_CLASS), dtype=jnp.float32) * 0.02
    b = jnp.zeros((N_CLASS,), dtype=jnp.float32)
    return {
        'byte_pairs': byte_pairs,
        'sentence_encoded': sentence_encoded,
        'scopes': scopes,
        'label': label,
        'W': W,
        'b': b,
    }


def reference(byte_pairs, sentence_encoded, scopes, label, W, b):
    # x = sentence['byte_pairs'][:, :sentence_encoded.size(1)]
    x = byte_pairs[:, :sentence_encoded.shape[1]]
    h = sentence_encoded
    # clf_h = h.view(-1, n_embd); flat = x.view(-1); clf_h = clf_h[flat == clf_token_idx]
    clf_h_all = h.reshape(-1, h.shape[-1])
    flat = x.reshape(-1)
    mask = flat == CLF_IDX
    clf_idx = jnp.nonzero(mask, size=x.shape[0])[0]
    clf_h = clf_h_all[clf_idx]  # [B, D] since exactly one CLF per sentence
    # Average selector: mean CLF representation per bag scope, then linear -> logits
    lengths = scopes[:, 1] - scopes[:, 0]
    seg_ids = jnp.repeat(jnp.arange(scopes.shape[0]), lengths, total_repeat_length=x.shape[0])
    bag_rep = jax.ops.segment_sum(clf_h, seg_ids, num_segments=scopes.shape[0])
    bag_rep = bag_rep / lengths[:, None].astype(clf_h.dtype)
    clf_logits = bag_rep @ W + b
    return (clf_logits, clf_h)

if __name__ == "__main__":
    import jax
    _d = setup_inputs()
    print(jax.jit(kernel)(*tuple(_d.values())))

</pallas_src>

<mosaic_0001>
#map = affine_map<(d0, d1) -> (0)>
#map1 = affine_map<(d0, d1) -> (0, 0)>
module attributes {stable_mosaic.version = 14 : i64} {
  func.func @_sc_gather_body(%arg0: i32, %arg1: i32, %arg2: memref<32768xi32, #tpu.memory_space<hbm>>, %arg3: memref<32768x1024xf32, #tpu.memory_space<hbm>>, %arg4: memref<256x1024xf32, #tpu.memory_space<hbm>>, %arg5: memref<2048xi32, #tpu.memory_space<vmem>>, %arg6: memref<16xi32, #tpu.memory_space<vmem>>, %arg7: memref<16x1024xf32, #tpu.memory_space<vmem>>, %arg8: memref<!tpu.dma_semaphore, #tpu.memory_space<semaphore_mem>>) attributes {dimension_semantics = [#tpu.dimension_semantics<core_parallel>, #tpu.dimension_semantics<subcore_parallel>], iteration_bounds = array<i64: 1, 16>, scalar_prefetch = 0 : i64, scratch_operands = 4 : i64, tpu.core_type = #tpu.core_type<sc_vector_subcore>, window_params = [{transform_indices = #map}, {transform_indices = #map1}, {transform_indices = #map1}]} {
    %mul3A = arith.constant 1 : i32
    %mul3A_0 = arith.muli %arg1, %mul3A : i32
    %add3A = arith.addi %mul3A_0, %arg0 : i32
    %mul3A_1 = arith.constant 16 : i32
    %mul3A_2 = arith.muli %add3A, %mul3A_1 : i32
    %mul3A_3 = arith.constant 128 : i32
    %mul3A_4 = arith.muli %mul3A_2, %mul3A_3 : i32
    "tpu.region"() ({
      %run_scoped3A = tpu.sem_alloc : memref<!tpu.dma_semaphore, #tpu.memory_space<semaphore_mem>>
      %dma_start3A_1798 = tpu.memref_slice %arg2[%mul3A_4] : memref<32768xi32, #tpu.memory_space<hbm>> -> memref<2048xi32, #tpu.memory_space<hbm>>
      %dma_start3A_1799 = tpu.memref_slice %arg2[%mul3A_4] : memref<32768xi32, #tpu.memory_space<hbm>> -> memref<2048xi32, #tpu.memory_space<hbm>>
      tpu.enqueue_dma source(%dma_start3A_1799 : memref<2048xi32, #tpu.memory_space<hbm>>) target(%arg5 : memref<2048xi32, #tpu.memory_space<vmem>>) target_semaphore(%run_scoped3A : memref<!tpu.dma_semaphore, #tpu.memory_space<semaphore_mem>>)
      %dma_wait3A_1800 = tpu.memref_slice %arg2[%mul3A_4] : memref<32768xi32, #tpu.memory_space<hbm>> -> memref<2048xi32, #tpu.memory_space<hbm>>
      %dma_wait3A_1801 = tpu.memref_slice %arg2[%mul3A_4] : memref<32768xi32, #tpu.memory_space<hbm>> -> memref<2048xi32, #tpu.memory_space<hbm>>
      tpu.wait_dma2 semaphore(%run_scoped3A : memref<!tpu.dma_semaphore, #tpu.memory_space<semaphore_mem>>) src(%dma_wait3A_1801 : memref<2048xi32, #tpu.memory_space<hbm>>) dst(%arg5 : memref<2048xi32, #tpu.memory_space<vmem>>)
      tpu.yield
    }) : () -> ()
    %iota3A = tpu.iota {dimensions = array<i32: 0>} : vector<16xi32>
    %broadcast_in_dim3A = arith.constant 0 : i32
    %broadcast_in_dim3A_5 = vector.broadcast %broadcast_in_dim3A : i32 to vector<16xi32>
    %broadcast_in_dim3A_6 = arith.constant 0 : i32
    %broadcast_in_dim3A_7 = vector.broadcast %broadcast_in_dim3A_6 : i32 to vector<16xi32>
    %get3A = arith.constant 0 : index
    %get3A_8 = tpu.vector_load %arg5[%get3A] {strides = array<i32>} : memref<2048xi32, #tpu.memory_space<vmem>>, vector<16xi32>,
    %eq3A = arith.constant 40477 : i32
    %eq3A_9 = vector.broadcast %eq3A : i32 to vector<16xi32>
    %eq3A_10 = arith.cmpi eq, %get3A_8, %eq3A_9 : vector<16xi32>
    %add3A_11 = arith.constant 0 : i32
    %add3A_12 = vector.broadcast %add3A_11 : i32 to vector<16xi32>
    %add3A_13 = arith.addi %iota3A, %add3A_12 : vector<16xi32>
    %jit3A = arith.constant 0 : i32
    %broadcast_in_dim3A_14 = vector.broadcast %jit3A : i32 to vector<16xi32>
    %select_n3A = arith.select %eq3A_10, %add3A_13, %broadcast_in_dim3A_14 : vector<16xi1>, vector<16xi32>
    %add3A_15 = arith.addi %broadcast_in_dim3A_7, %select_n3A : vector<16xi32>
    %get3A_16 = arith.constant 16 : index
    %get3A_17 = tpu.vector_load %arg5[%get3A_16] {strides = array<i32>} : memref<2048xi32, #tpu.memory_space<vmem>>, vector<16xi32>,
    %eq3A_18 = arith.constant 40477 : i32
    %eq3A_19 = vector.broadcast %eq3A_18 : i32 to vector<16xi32>
    %eq3A_20 = arith.cmpi eq, %get3A_17, %eq3A_19 : vector<16xi32>
    %add3A_21 = arith.constant 16 : i32
    %add3A_22 = vector.broadcast %add3A_21 : i32 to vector<16xi32>
    %add3A_23 = arith.addi %iota3A, %add3A_22 : vector<16xi32>
    %jit3A_24 = arith.constant 0 : i32
    %broadcast_in_dim3A_25 = vector.broadcast %jit3A_24 : i32 to vector<16xi32>
    %select_n3A_26 = arith.select %eq3A_20, %add3A_23, %broadcast_in_dim3A_25 : vector<16xi1>, vector<16xi32>
    %add3A_27 = arith.addi %add3A_15, %select_n3A_26 : vector<16xi32>
    %get3A_28 = arith.constant 32 : index
    %get3A_29 = tpu.vector_load %arg5[%get3A_28] {strides = array<i32>} : memref<2048xi32, #tpu.memory_space<vmem>>, vector<16xi32>,
    %eq3A_30 = arith.constant 40477 : i32
    %eq3A_31 = vector.broadcast %eq3A_30 : i32 to vector<16xi32>
    %eq3A_32 = arith.cmpi eq, %get3A_29, %eq3A_31 : vector<16xi32>
    %add3A_33 = arith.constant 32 : i32
    %add3A_34 = vector.broadcast %add3A_33 : i32 to vector<16xi32>
    %add3A_35 = arith.addi %iota3A, %add3A_34 : vector<16xi32>
    %jit3A_36 = arith.constant 0 : i32
    %broadcast_in_dim3A_37 = vector.broadcast %jit3A_36 : i32 to vector<16xi32>
    %select_n3A_38 = arith.select %eq3A_32, %add3A_35, %broadcast_in_dim3A_37 : vector<16xi1>, vector<16xi32>
    %add3A_39 = arith.addi %add3A_27, %select_n3A_38 : vector<16xi32>
    %get3A_40 = arith.constant 48 : index
    %get3A_41 = tpu.vector_load %arg5[%get3A_40] {strides = array<i32>} : memref<2048xi32, #tpu.memory_space<vmem>>, vector<16xi32>,
    %eq3A_42 = arith.constant 40477 : i32
    %eq3A_43 = vector.broadcast %eq3A_42 : i32 to vector<16xi32>
    %eq3A_44 = arith.cmpi eq, %get3A_41, %eq3A_43 : vector<16xi32>
    %add3A_45 = arith.constant 48 : i32
    %add3A_46 = vector.broadcast %add3A_45 : i32 to vector<16xi32>
    %add3A_47 = arith.addi %iota3A, %add3A_46 : vector<16xi32>
    %jit3A_48 = arith.constant 0 : i32
    %broadcast_in_dim3A_49 = vector.broadcast %jit3A_48 : i32 to vector<16xi32>
    %select_n3A_50 = arith.select %eq3A_44, %add3A_47, %broadcast_in_dim3A_49 : vector<16xi1>, vector<16xi32>
    %add3A_51 = arith.addi %add3A_39, %select_n3A_50 : vector<16xi32>
    %get3A_52 = arith.constant 64 : index
    %get3A_53 = tpu.vector_load %arg5[%get3A_52] {strides = array<i32>} : memref<2048xi32, #tpu.memory_space<vmem>>, vector<16xi32>,
    %eq3A_54 = arith.constant 40477 : i32
    %eq3A_55 = vector.broadcast %eq3A_54 : i32 to vector<16xi32>
    %eq3A_56 = arith.cmpi eq, %get3A_53, %eq3A_55 : vector<16xi32>
    %add3A_57 = arith.constant 64 : i32
    %add3A_58 = vector.broadcast %add3A_57 : i32 to vector<16xi32>
    %add3A_59 = arith.addi %iota3A, %add3A_58 : vector<16xi32>
    %jit3A_60 = arith.constant 0 : i32
    %broadcast_in_dim3A_61 = vector.broadcast %jit3A_60 : i32 to vector<16xi32>
    %select_n3A_62 = arith.select %eq3A_56, %add3A_59, %broadcast_in_dim3A_61 : vector<16xi1>, vector<16xi32>
    %add3A_63 = arith.addi %add3A_51, %select_n3A_62 : vector<16xi32>
    %get3A_64 = arith.constant 80 : index
    %get3A_65 = tpu.vector_load %arg5[%get3A_64] {strides = array<i32>} : memref<2048xi32, #tpu.memory_space<vmem>>, vector<16xi32>,
    %eq3A_66 = arith.constant 40477 : i32
    %eq3A_67 = vector.broadcast %eq3A_66 : i32 to vector<16xi32>
    %eq3A_68 = arith.cmpi eq, %get3A_65, %eq3A_67 : vector<16xi32>
    %add3A_69 = arith.constant 80 : i32
    %add3A_70 = vector.broadcast %add3A_69 : i32 to vector<16xi32>
    %add3A_71 = arith.addi %iota3A, %add3A_70 : vector<16xi32>
    %jit3A_72 = arith.constant 0 : i32
    %broadcast_in_dim3A_73 = vector.broadcast %jit3A_72 : i32 to vector<16xi32>
    %select_n3A_74 = arith.select %eq3A_68, %add3A_71, %broadcast_in_dim3A_73 : vector<16xi1>, vector<16xi32>
    %add3A_75 = arith.addi %add3A_63, %select_n3A_74 : vector<16xi32>
    %get3A_76 = arith.constant 96 : index
    %get3A_77 = tpu.vector_load %arg5[%get3A_76] {strides = array<i32>} : memref<2048xi32, #tpu.memory_space<vmem>>, vector<16xi32>,
    %eq3A_78 = arith.constant 40477 : i32
    %eq3A_79 = vector.broadcast %eq3A_78 : i32 to vector<16xi32>
    %eq3A_80 = arith.cmpi eq, %get3A_77, %eq3A_79 : vector<16xi32>
    %add3A_81 = arith.constant 96 : i32
    %add3A_82 = vector.broadcast %add3A_81 : i32 to vector<16xi32>
    %add3A_83 = arith.addi %iota3A, %add3A_82 : vector<16xi32>
    %jit3A_84 = arith.constant 0 : i32
    %broadcast_in_dim3A_85 = vector.broadcast %jit3A_84 : i32 to vector<16xi32>
    %select_n3A_86 = arith.select %eq3A_80, %add3A_83, %broadcast_in_dim3A_85 : vector<16xi1>, vector<16xi32>
    %add3A_87 = arith.addi %add3A_75, %select_n3A_86 : vector<16xi32>
    %get3A_88 = arith.constant 112 : index
    %get3A_89 = tpu.vector_load %arg5[%get3A_88] {strides = array<i32>} : memref<2048xi32, #tpu.memory_space<vmem>>, vector<16xi32>,
    %eq3A_90 = arith.constant 40477 : i32
    %eq3A_91 = vector.broadcast %eq3A_90 : i32 to vector<16xi32>
    %eq3A_92 = arith.cmpi eq, %get3A_89, %eq3A_91 : vector<16xi32>
    %add3A_93 = arith.constant 112 : i32
    %add3A_94 = vector.broadcast %add3A_93 : i32 to vector<16xi32>
    %add3A_95 = arith.addi %iota3A, %add3A_94 : vector<16xi32>
    %jit3A_96 = arith.constant 0 : i32
    %broadcast_in_dim3A_97 = vector.broadcast %jit3A_96 : i32 to vector<16xi32>
    %select_n3A_98 = arith.select %eq3A_92, %add3A_95, %broadcast_in_dim3A_97 : vector<16xi1>, vector<16xi32>
    %add3A_99 = arith.addi %add3A_87, %select_n3A_98 : vector<16xi32>
    %reduce_sum3A = arith.constant true
    %reduce_sum3A_100 = vector.broadcast %reduce_sum3A : i1 to vector<16xi1>
    %reduce_sum3A_101 = tpu.scan <sum>, %add3A_99 masked %reduce_sum3A_100 : vector<16xi32>, vector<16xi1> -> vector<16xi32>
    %reduce_sum3A_102 = vector.extract %reduce_sum3A_101[15] : i32 from vector<16xi32>
    %eq3A_103 = arith.constant 0 : i32
    %eq3A_104 = vector.broadcast %eq3A_103 : i32 to vector<16xi32>
    %eq3A_105 = arith.cmpi eq, %iota3A, %eq3A_104 : vector<16xi32>
    %add3A_106 = arith.constant 0 : i32
    %add3A_107 = arith.addi %mul3A_2, %add3A_106 : i32
    %mul3A_108 = arith.constant 128 : i32
    %mul3A_109 = arith.muli %add3A_107, %mul3A_108 : i32
    %add3A_110 = arith.addi %mul3A_109, %reduce_sum3A_102 : i32
    %broadcast_in_dim3A_111 = vector.broadcast %add3A_110 : i32 to vector<16xi32>
    %select_n3A_112 = arith.select %eq3A_105, %broadcast_in_dim3A_111, %broadcast_in_dim3A_5 : vector<16xi1>, vector<16xi32>
    %broadcast_in_dim3A_113 = arith.constant 0 : i32
    %broadcast_in_dim3A_114 = vector.broadcast %broadcast_in_dim3A_113 : i32 to vector<16xi32>
    %get3A_115 = arith.constant 128 : index
    %get3A_116 = tpu.vector_load %arg5[%get3A_115] {strides = array<i32>} : memref<2048xi32, #tpu.memory_space<vmem>>, vector<16xi32>,
    %eq3A_117 = arith.constant 40477 : i32
    %eq3A_118 = vector.broadcast %eq3A_117 : i32 to vector<16xi32>
    %eq3A_119 = arith.cmpi eq, %get3A_116, %eq3A_118 : vector<16xi32>
    %add3A_120 = arith.constant 0 : i32
    %add3A_121 = vector.broadcast %add3A_120 : i32 to vector<16xi32>
    %add3A_122 = arith.addi %iota3A, %add3A_121 : vector<16xi32>
    %jit3A_123 = arith.constant 0 : i32
    %broadcast_in_dim3A_124 = vector.broadcast %jit3A_123 : i32 to vector<16xi32>
    %select_n3A_125 = arith.select %eq3A_119, %add3A_122, %broadcast_in_dim3A_124 : vector<16xi1>, vector<16xi32>
    %add3A_126 = arith.addi %broadcast_in_dim3A_114, %select_n3A_125 : vector<16xi32>
    %get3A_127 = arith.constant 144 : index
    %get3A_128 = tpu.vector_load %arg5[%get3A_127] {strides = array<i32>} : memref<2048xi32, #tpu.memory_space<vmem>>, vector<16xi32>,
    %eq3A_129 = arith.constant 40477 : i32
    %eq3A_130 = vector.broadcast %eq3A_129 : i32 to vector<16xi32>
    %eq3A_131 = arith.cmpi eq, %get3A_128, %eq3A_130 : vector<16xi32>
    %add3A_132 = arith.constant 16 : i32
    %add3A_133 = vector.broadcast %add3A_132 : i32 to vector<16xi32>
    %add3A_134 = arith.addi %iota3A, %add3A_133 : vector<16xi32>
    %jit3A_135 = arith.constant 0 : i32
    %broadcast_in_dim3A_136 = vector.broadcast %jit3A_135 : i32 to vector<16xi32>
    %select_n3A_137 = arith.select %eq3A_131, %add3A_134, %broadcast_in_dim3A_136 : vector<16xi1>, vector<16xi32>
    %add3A_138 = arith.addi %add3A_126, %select_n3A_137 : vector<16xi32>
    %get3A_139 = arith.constant 160 : index
    %get3A_140 = tpu.vector_load %arg5[%get3A_139] {strides = array<i32>} : memref<2048xi32, #tpu.memory_space<vmem>>, vector<16xi32>,
    %eq3A_141 = arith.constant 40477 : i32
    %eq3A_142 = vector.broadcast %eq3A_141 : i32 to vector<16xi32>
    %eq3A_143 = arith.cmpi eq, %get3A_140, %eq3A_142 : vector<16xi32>
    %add3A_144 = arith.constant 32 : i32
    %add3A_145 = vector.broadcast %add3A_144 : i32 to vector<16xi32>
    %add3A_146 = arith.addi %iota3A, %add3A_145 : vector<16xi32>
    %jit3A_147 = arith.constant 0 : i32
    %broadcast_in_dim3A_148 = vector.broadcast %jit3A_147 : i32 to vector<16xi32>
    %select_n3A_149 = arith.select %eq3A_143, %add3A_146, %broadcast_in_dim3A_148 : vector<16xi1>, vector<16xi32>
    %add3A_150 = arith.addi %add3A_138, %select_n3A_149 : vector<16xi32>
    %get3A_151 = arith.constant 176 : index
    %get3A_152 = tpu.vector_load %arg5[%get3A_151] {strides = array<i32>} : memref<2048xi32, #tpu.memory_space<vmem>>, vector<16xi32>,
    %eq3A_153 = arith.constant 40477 : i32
    %eq3A_154 = vector.broadcast %eq3A_153 : i32 to vector<16xi32>
    %eq3A_155 = arith.cmpi eq, %get3A_152, %eq3A_154 : vector<16xi32>
    %add3A_156 = arith.constant 48 : i32
    %add3A_157 = vector.broadcast %add3A_156 : i32 to vector<16xi32>
    %add3A_158 = arith.addi %iota3A, %add3A_157 : vector<16xi32>
    %jit3A_159 = arith.constant 0 : i32
    %broadcast_in_dim3A_160 = vector.broadcast %jit3A_159 : i32 to vector<16xi32>
    %select_n3A_161 = arith.select %eq3A_155, %add3A_158, %broadcast_in_dim3A_160 : vector<16xi1>, vector<16xi32>
    %add3A_162 = arith.addi %add3A_150, %select_n3A_161 : vector<16xi32>
    %get3A_163 = arith.constant 192 : index
    %get3A_164 = tpu.vector_load %arg5[%get3A_163] {strides = array<i32>} : memref<2048xi32, #tpu.memory_space<vmem>>, vector<16xi32>,
    %eq3A_165 = arith.constant 40477 : i32
    %eq3A_166 = vector.broadcast %eq3A_165 : i32 to vector<16xi32>
    %eq3A_167 = arith.cmpi eq, %get3A_164, %eq3A_166 : vector<16xi32>
    %add3A_168 = arith.constant 64 : i32
    %add3A_169 = vector.broadcast %add3A_168 : i32 to vector<16xi32>
    %add3A_170 = arith.addi %iota3A, %add3A_169 : vector<16xi32>
    %jit3A_171 = arith.constant 0 : i32
    %broadcast_in_dim3A_172 = vector.broadcast %jit3A_171 : i32 to vector<16xi32>
    %select_n3A_173 = arith.select %eq3A_167, %add3A_170, %broadcast_in_dim3A_172 : vector<16xi1>, vector<16xi32>
    %add3A_174 = arith.addi %add3A_162, %select_n3A_173 : vector<16xi32>
    %get3A_175 = arith.constant 208 : index
    %get3A_176 = tpu.vector_load %arg5[%get3A_175] {strides = array<i32>} : memref<2048xi32, #tpu.memory_space<vmem>>, vector<16xi32>,
    %eq3A_177 = arith.constant 40477 : i32
    %eq3A_178 = vector.broadcast %eq3A_177 : i32 to vector<16xi32>
    %eq3A_179 = arith.cmpi eq, %get3A_176, %eq3A_178 : vector<16xi32>
    %add3A_180 = arith.constant 80 : i32
    %add3A_181 = vector.broadcast %add3A_180 : i32 to vector<16xi32>
    %add3A_182 = arith.addi %iota3A, %add3A_181 : vector<16xi32>
    %jit3A_183 = arith.constant 0 : i32
    %broadcast_in_dim3A_184 = vector.broadcast %jit3A_183 : i32 to vector<16xi32>
    %select_n3A_185 = arith.select %eq3A_179, %add3A_182, %broadcast_in_dim3A_184 : vector<16xi1>, vector<16xi32>
    %add3A_186 = arith.addi %add3A_174, %select_n3A_185 : vector<16xi32>
    %get3A_187 = arith.constant 224 : index
    %get3A_188 = tpu.vector_load %arg5[%get3A_187] {strides = array<i32>} : memref<2048xi32, #tpu.memory_space<vmem>>, vector<16xi32>,
    %eq3A_189 = arith.constant 40477 : i32
    %eq3A_190 = vector.broadcast %eq3A_189 : i32 to vector<16xi32>
    %eq3A_191 = arith.cmpi eq, %get3A_188, %eq3A_190 : vector<16xi32>
    %add3A_192 = arith.constant 96 : i32
    %add3A_193 = vector.broadcast %add3A_192 : i32 to vector<16xi32>
    %add3A_194 = arith.addi %iota3A, %add3A_193 : vector<16xi32>
    %jit3A_195 = arith.constant 0 : i32
    %broadcast_in_dim3A_196 = vector.broadcast %jit3A_195 : i32 to vector<16xi32>
    %select_n3A_197 = arith.select %eq3A_191, %add3A_194, %broadcast_in_dim3A_196 : vector<16xi1>, vector<16xi32>
    %add3A_198 = arith.addi %add3A_186, %select_n3A_197 : vector<16xi32>
    %get3A_199 = arith.constant 240 : index
    %get3A_200 = tpu.vector_load %arg5[%get3A_199] {strides = array<i32>} : memref<2048xi32, #tpu.memory_space<vmem>>, vector<16xi32>,
    %eq3A_201 = arith.constant 40477 : i32
    %eq3A_202 = vector.broadcast %eq3A_201 : i32 to vector<16xi32>
    %eq3A_203 = arith.cmpi eq, %get3A_200, %eq3A_202 : vector<16xi32>
    %add3A_204 = arith.constant 112 : i32
    %add3A_205 = vector.broadcast %add3A_204 : i32 to vector<16xi32>
    %add3A_206 = arith.addi %iota3A, %add3A_205 : vector<16xi32>
    %jit3A_207 = arith.constant 0 : i32
    %broadcast_in_dim3A_208 = vector.broadcast %jit3A_207 : i32 to vector<16xi32>
    %select_n3A_209 = arith.select %eq3A_203, %add3A_206, %broadcast_in_dim3A_208 : vector<16xi1>, vector<16xi32>
    %add3A_210 = arith.addi %add3A_198, %select_n3A_209 : vector<16xi32>
    %reduce_sum3A_211 = arith.constant true
    %reduce_sum3A_212 = vector.broadcast %reduce_sum3A_211 : i1 to vector<16xi1>
    %reduce_sum3A_213 = tpu.scan <sum>, %add3A_210 masked %reduce_sum3A_212 : vector<16xi32>, vector<16xi1> -> vector<16xi32>
    %reduce_sum3A_214 = vector.extract %reduce_sum3A_213[15] : i32 from vector<16xi32>
    %eq3A_215 = arith.constant 1 : i32
    %eq3A_216 = vector.broadcast %eq3A_215 : i32 to vector<16xi32>
    %eq3A_217 = arith.cmpi eq, %iota3A, %eq3A_216 : vector<16xi32>
    %add3A_218 = arith.constant 1 : i32
    %add3A_219 = arith.addi %mul3A_2, %add3A_218 : i32
    %mul3A_220 = arith.constant 128 : i32
    %mul3A_221 = arith.muli %add3A_219, %mul3A_220 : i32
    %add3A_222 = arith.addi %mul3A_221, %reduce_sum3A_214 : i32
    %broadcast_in_dim3A_223 = vector.broadcast %add3A_222 : i32 to vector<16xi32>
    %select_n3A_224 = arith.select %eq3A_217, %broadcast_in_dim3A_223, %select_n3A_112 : vector<16xi1>, vector<16xi32>
    %broadcast_in_dim3A_225 = arith.constant 0 : i32
    %broadcast_in_dim3A_226 = vector.broadcast %broadcast_in_dim3A_225 : i32 to vector<16xi32>
    %get3A_227 = arith.constant 256 : index
    %get3A_228 = tpu.vector_load %arg5[%get3A_227] {strides = array<i32>} : memref<2048xi32, #tpu.memory_space<vmem>>, vector<16xi32>,
    %eq3A_229 = arith.constant 40477 : i32
    %eq3A_230 = vector.broadcast %eq3A_229 : i32 to vector<16xi32>
    %eq3A_231 = arith.cmpi eq, %get3A_228, %eq3A_230 : vector<16xi32>
    %add3A_232 = arith.constant 0 : i32
    %add3A_233 = vector.broadcast %add3A_232 : i32 to vector<16xi32>
    %add3A_234 = arith.addi %iota3A, %add3A_233 : vector<16xi32>
    %jit3A_235 = arith.constant 0 : i32
    %broadcast_in_dim3A_236 = vector.broadcast %jit3A_235 : i32 to vector<16xi32>
    %select_n3A_237 = arith.select %eq3A_231, %add3A_234, %broadcast_in_dim3A_236 : vector<16xi1>, vector<16xi32>
    %add3A_238 = arith.addi %broadcast_in_dim3A_226, %select_n3A_237 : vector<16xi32>
    %get3A_239 = arith.constant 272 : index
    %get3A_240 = tpu.vector_load %arg5[%get3A_239] {strides = array<i32>} : memref<2048xi32, #tpu.memory_space<vmem>>, vector<16xi32>,
    %eq3A_241 = arith.constant 40477 : i32
    %eq3A_242 = vector.broadcast %eq3A_241 : i32 to vector<16xi32>
    %eq3A_243 = arith.cmpi eq, %get3A_240, %eq3A_242 : vector<16xi32>
    %add3A_244 = arith.constant 16 : i32
    %add3A_245 = vector.broadcast %add3A_244 : i32 to vector<16xi32>
    %add3A_246 = arith.addi %iota3A, %add3A_245 : vector<16xi32>
    %jit3A_247 = arith.constant 0 : i32
    %broadcast_in_dim3A_248 = vector.broadcast %jit3A_247 : i32 to vector<16xi32>
    %select_n3A_249 = arith.select %eq3A_243, %add3A_246, %broadcast_in_dim3A_248 : vector<16xi1>, vector<16xi32>
    %add3A_250 = arith.addi %add3A_238, %select_n3A_249 : vector<16xi32>
    %get3A_251 = arith.constant 288 : index
    %get3A_252 = tpu.vector_load %arg5[%get3A_251] {strides = array<i32>} : memref<2048xi32, #tpu.memory_space<vmem>>, vector<16xi32>,
    %eq3A_253 = arith.constant 40477 : i32
    %eq3A_254 = vector.broadcast %eq3A_253 : i32 to vector<16xi32>
    %eq3A_255 = arith.cmpi eq, %get3A_252, %eq3A_254 : vector<16xi32>
    %add3A_256 = arith.constant 32 : i32
    %add3A_257 = vector.broadcast %add3A_256 : i32 to vector<16xi32>
    %add3A_258 = arith.addi %iota3A, %add3A_257 : vector<16xi32>
    %jit3A_259 = arith.constant 0 : i32
    %broadcast_in_dim3A_260 = vector.broadcast %jit3A_259 : i32 to vector<16xi32>
    %select_n3A_261 = arith.select %eq3A_255, %add3A_258, %broadcast_in_dim3A_260 : vector<16xi1>, vector<16xi32>
    %add3A_262 = arith.addi %add3A_250, %select_n3A_261 : vector<16xi32>
    %get3A_263 = arith.constant 304 : index
    %get3A_264 = tpu.vector_load %arg5[%get3A_263] {strides = array<i32>} : memref<2048xi32, #tpu.memory_space<vmem>>, vector<16xi32>,
    %eq3A_265 = arith.constant 40477 : i32
    %eq3A_266 = vector.broadcast %eq3A_265 : i32 to vector<16xi32>
    %eq3A_267 = arith.cmpi eq, %get3A_264, %eq3A_266 : vector<16xi32>
    %add3A_268 = arith.constant 48 : i32
    %add3A_269 = vector.broadcast %add3A_268 : i32 to vector<16xi32>
    %add3A_270 = arith.addi %iota3A, %add3A_269 : vector<16xi32>
    %jit3A_271 = arith.constant 0 : i32
    %broadcast_in_dim3A_272 = vector.broadcast %jit3A_271 : i32 to vector<16xi32>
    %select_n3A_273 = arith.select %eq3A_267, %add3A_270, %broadcast_in_dim3A_272 : vector<16xi1>, vector<16xi32>
    %add3A_274 = arith.addi %add3A_262, %select_n3A_273 : vector<16xi32>
    %get3A_275 = arith.constant 320 : index
    %get3A_276 = tpu.vector_load %arg5[%get3A_275] {strides = array<i32>} : memref<2048xi32, #tpu.memory_space<vmem>>, vector<16xi32>,
    %eq3A_277 = arith.constant 40477 : i32
    %eq3A_278 = vector.broadcast %eq3A_277 : i32 to vector<16xi32>
    %eq3A_279 = arith.cmpi eq, %get3A_276, %eq3A_278 : vector<16xi32>
    %add3A_280 = arith.constant 64 : i32
    %add3A_281 = vector.broadcast %add3A_280 : i32 to vector<16xi32>
    %add3A_282 = arith.addi %iota3A, %add3A_281 : vector<16xi32>
    %jit3A_283 = arith.constant 0 : i32
    %broadcast_in_dim3A_284 = vector.broadcast %jit3A_283 : i32 to vector<16xi32>
    %select_n3A_285 = arith.select %eq3A_279, %add3A_282, %broadcast_in_dim3A_284 : vector<16xi1>, vector<16xi32>
    %add3A_286 = arith.addi %add3A_274, %select_n3A_285 : vector<16xi32>
    %get3A_287 = arith.constant 336 : index
    %get3A_288 = tpu.vector_load %arg5[%get3A_287] {strides = array<i32>} : memref<2048xi32, #tpu.memory_space<vmem>>, vector<16xi32>,
    %eq3A_289 = arith.constant 40477 : i32
    %eq3A_290 = vector.broadcast %eq3A_289 : i32 to vector<16xi32>
    %eq3A_291 = arith.cmpi eq, %get3A_288, %eq3A_290 : vector<16xi32>
    %add3A_292 = arith.constant 80 : i32
    %add3A_293 = vector.broadcast %add3A_292 : i32 to vector<16xi32>
    %add3A_294 = arith.addi %iota3A, %add3A_293 : vector<16xi32>
    %jit3A_295 = arith.constant 0 : i32
    %broadcast_in_dim3A_296 = vector.broadcast %jit3A_295 : i32 to vector<16xi32>
    %select_n3A_297 = arith.select %eq3A_291, %add3A_294, %broadcast_in_dim3A_296 : vector<16xi1>, vector<16xi32>
    %add3A_298 = arith.addi %add3A_286, %select_n3A_297 : vector<16xi32>
    %get3A_299 = arith.constant 352 : index
    %get3A_300 = tpu.vector_load %arg5[%get3A_299] {strides = array<i32>} : memref<2048xi32, #tpu.memory_space<vmem>>, vector<16xi32>,
    %eq3A_301 = arith.constant 40477 : i32
    %eq3A_302 = vector.broadcast %eq3A_301 : i32 to vector<16xi32>
    %eq3A_303 = arith.cmpi eq, %get3A_300, %eq3A_302 : vector<16xi32>
    %add3A_304 = arith.constant 96 : i32
    %add3A_305 = vector.broadcast %add3A_304 : i32 to vector<16xi32>
    %add3A_306 = arith.addi %iota3A, %add3A_305 : vector<16xi32>
    %jit3A_307 = arith.constant 0 : i32
    %broadcast_in_dim3A_308 = vector.broadcast %jit3A_307 : i32 to vector<16xi32>
    %select_n3A_309 = arith.select %eq3A_303, %add3A_306, %broadcast_in_dim3A_308 : vector<16xi1>, vector<16xi32>
    %add3A_310 = arith.addi %add3A_298, %select_n3A_309 : vector<16xi32>
    %get3A_311 = arith.constant 368 : index
    %get3A_312 = tpu.vector_load %arg5[%get3A_311] {strides = array<i32>} : memref<2048xi32, #tpu.memory_space<vmem>>, vector<16xi32>,
    %eq3A_313 = arith.constant 40477 : i32
    %eq3A_314 = vector.broadcast %eq3A_313 : i32 to vector<16xi32>
    %eq3A_315 = arith.cmpi eq, %get3A_312, %eq3A_314 : vector<16xi32>
    %add3A_316 = arith.constant 112 : i32
    %add3A_317 = vector.broadcast %add3A_316 : i32 to vector<16xi32>
    %add3A_318 = arith.addi %iota3A, %add3A_317 : vector<16xi32>
    %jit3A_319 = arith.constant 0 : i32
    %broadcast_in_dim3A_320 = vector.broadcast %jit3A_319 : i32 to vector<16xi32>
    %select_n3A_321 = arith.select %eq3A_315, %add3A_318, %broadcast_in_dim3A_320 : vector<16xi1>, vector<16xi32>
    %add3A_322 = arith.addi %add3A_310, %select_n3A_321 : vector<16xi32>
    %reduce_sum3A_323 = arith.constant true
    %reduce_sum3A_324 = vector.broadcast %reduce_sum3A_323 : i1 to vector<16xi1>
    %reduce_sum3A_325 = tpu.scan <sum>, %add3A_322 masked %reduce_sum3A_324 : vector<16xi32>, vector<16xi1> -> vector<16xi32>
    %reduce_sum3A_326 = vector.extract %reduce_sum3A_325[15] : i32 from vector<16xi32>
    %eq3A_327 = arith.constant 2 : i32
    %eq3A_328 = vector.broadcast %eq3A_327 : i32 to vector<16xi32>
    %eq3A_329 = arith.cmpi eq, %iota3A, %eq3A_328 : vector<16xi32>
    %add3A_330 = arith.constant 2 : i32
    %add3A_331 = arith.addi %mul3A_2, %add3A_330 : i32
    %mul3A_332 = arith.constant 128 : i32
    %mul3A_333 = arith.muli %add3A_331, %mul3A_332 : i32
    %add3A_334 = arith.addi %mul3A_333, %reduce_sum3A_326 : i32
    %broadcast_in_dim3A_335 = vector.broadcast %add3A_334 : i32 to vector<16xi32>
    %select_n3A_336 = arith.select %eq3A_329, %broadcast_in_dim3A_335, %select_n3A_224 : vector<16xi1>, vector<16xi32>
    %broadcast_in_dim3A_337 = arith.constant 0 : i32
    %broadcast_in_dim3A_338 = vector.broadcast %broadcast_in_dim3A_337 : i32 to vector<16xi32>
    %get3A_339 = arith.constant 384 : index
    %get3A_340 = tpu.vector_load %arg5[%get3A_339] {strides = array<i32>} : memref<2048xi32, #tpu.memory_space<vmem>>, vector<16xi32>,
    %eq3A_341 = arith.constant 40477 : i32
    %eq3A_342 = vector.broadcast %eq3A_341 : i32 to vector<16xi32>
    %eq3A_343 = arith.cmpi eq, %get3A_340, %eq3A_342 : vector<16xi32>
    %add3A_344 = arith.constant 0 : i32
    %add3A_345 = vector.broadcast %add3A_344 : i32 to vector<16xi32>
    %add3A_346 = arith.addi %iota3A, %add3A_345 : vector<16xi32>
    %jit3A_347 = arith.constant 0 : i32
    %broadcast_in_dim3A_348 = vector.broadcast %jit3A_347 : i32 to vector<16xi32>
    %select_n3A_349 = arith.select %eq3A_343, %add3A_346, %broadcast_in_dim3A_348 : vector<16xi1>, vector<16xi32>
    %add3A_350 = arith.addi %broadcast_in_dim3A_338, %select_n3A_349 : vector<16xi32>
    %get3A_351 = arith.constant 400 : index
    %get3A_352 = tpu.vector_load %arg5[%get3A_351] {strides = array<i32>} : memref<2048xi32, #tpu.memory_space<vmem>>, vector<16xi32>,
    %eq3A_353 = arith.constant 40477 : i32
    %eq3A_354 = vector.broadcast %eq3A_353 : i32 to vector<16xi32>
    %eq3A_355 = arith.cmpi eq, %get3A_352, %eq3A_354 : vector<16xi32>
    %add3A_356 = arith.constant 16 : i32
    %add3A_357 = vector.broadcast %add3A_356 : i32 to vector<16xi32>
    %add3A_358 = arith.addi %iota3A, %add3A_357 : vector<16xi32>
    %jit3A_359 = arith.constant 0 : i32
    %broadcast_in_dim3A_360 = vector.broadcast %jit3A_359 : i32 to vector<16xi32>
    %select_n3A_361 = arith.select %eq3A_355, %add3A_358, %broadcast_in_dim3A_360 : vector<16xi1>, vector<16xi32>
    %add3A_362 = arith.addi %add3A_350, %select_n3A_361 : vector<16xi32>
    %get3A_363 = arith.constant 416 : index
    %get3A_364 = tpu.vector_load %arg5[%get3A_363] {strides = array<i32>} : memref<2048xi32, #tpu.memory_space<vmem>>, vector<16xi32>,
    %eq3A_365 = arith.constant 40477 : i32
    %eq3A_366 = vector.broadcast %eq3A_365 : i32 to vector<16xi32>
    %eq3A_367 = arith.cmpi eq, %get3A_364, %eq3A_366 : vector<16xi32>
    %add3A_368 = arith.constant 32 : i32
    %add3A_369 = vector.broadcast %add3A_368 : i32 to vector<16xi32>
    %add3A_370 = arith.addi %iota3A, %add3A_369 : vector<16xi32>
    %jit3A_371 = arith.constant 0 : i32
    %broadcast_in_dim3A_372 = vector.broadcast %jit3A_371 : i32 to vector<16xi32>
    %select_n3A_373 = arith.select %eq3A_367, %add3A_370, %broadcast_in_dim3A_372 : vector<16xi1>, vector<16xi32>
    %add3A_374 = arith.addi %add3A_362, %select_n3A_373 : vector<16xi32>
    %get3A_375 = arith.constant 432 : index
    %get3A_376 = tpu.vector_load %arg5[%get3A_375] {strides = array<i32>} : memref<2048xi32, #tpu.memory_space<vmem>>, vector<16xi32>,
    %eq3A_377 = arith.constant 40477 : i32
    %eq3A_378 = vector.broadcast %eq3A_377 : i32 to vector<16xi32>
    %eq3A_379 = arith.cmpi eq, %get3A_376, %eq3A_378 : vector<16xi32>
    %add3A_380 = arith.constant 48 : i32
    %add3A_381 = vector.broadcast %add3A_380 : i32 to vector<16xi32>
    %add3A_382 = arith.addi %iota3A, %add3A_381 : vector<16xi32>
    %jit3A_383 = arith.constant 0 : i32
    %broadcast_in_dim3A_384 = vector.broadcast %jit3A_383 : i32 to vector<16xi32>
    %select_n3A_385 = arith.select %eq3A_379, %add3A_382, %broadcast_in_dim3A_384 : vector<16xi1>, vector<16xi32>
    %add3A_386 = arith.addi %add3A_374, %select_n3A_385 : vector<16xi32>
    %get3A_387 = arith.constant 448 : index
    %get3A_388 = tpu.vector_load %arg5[%get3A_387] {strides = array<i32>} : memref<2048xi32, #tpu.memory_space<vmem>>, vector<16xi32>,
    %eq3A_389 = arith.constant 40477 : i32
    %eq3A_390 = vector.broadcast %eq3A_389 : i32 to vector<16xi32>
    %eq3A_391 = arith.cmpi eq, %get3A_388, %eq3A_390 : vector<16xi32>
    %add3A_392 = arith.constant 64 : i32
    %add3A_393 = vector.broadcast %add3A_392 : i32 to vector<16xi32>
    %add3A_394 = arith.addi %iota3A, %add3A_393 : vector<16xi32>
    %jit3A_395 = arith.constant 0 : i32
    %broadcast_in_dim3A_396 = vector.broadcast %jit3A_395 : i32 to vector<16xi32>
    %select_n3A_397 = arith.select %eq3A_391, %add3A_394, %broadcast_in_dim3A_396 : vector<16xi1>, vector<16xi32>
    %add3A_398 = arith.addi %add3A_386, %select_n3A_397 : vector<16xi32>
    %get3A_399 = arith.constant 464 : index
    %get3A_400 = tpu.vector_load %arg5[%get3A_399] {strides = array<i32>} : memref<2048xi32, #tpu.memory_space<vmem>>, vector<16xi32>,
    %eq3A_401 = arith.constant 40477 : i32
    %eq3A_402 = vector.broadcast %eq3A_401 : i32 to vector<16xi32>
    %eq3A_403 = arith.cmpi eq, %get3A_400, %eq3A_402 : vector<16xi32>
    %add3A_404 = arith.constant 80 : i32
    %add3A_405 = vector.broadcast %add3A_404 : i32 to vector<16xi32>
    %add3A_406 = arith.addi %iota3A, %add3A_405 : vector<16xi32>
    %jit3A_407 = arith.constant 0 : i32
    %broadcast_in_dim3A_408 = vector.broadcast %jit3A_407 : i32 to vector<16xi32>
    %select_n3A_409 = arith.select %eq3A_403, %add3A_406, %broadcast_in_dim3A_408 : vector<16xi1>, vector<16xi32>
    %add3A_410 = arith.addi %add3A_398, %select_n3A_409 : vector<16xi32>
    %get3A_411 = arith.constant 480 : index
    %get3A_412 = tpu.vector_load %arg5[%get3A_411] {strides = array<i32>} : memref<2048xi32, #tpu.memory_space<vmem>>, vector<16xi32>,
    %eq3A_413 = arith.constant 40477 : i32
    %eq3A_414 = vector.broadcast %eq3A_413 : i32 to vector<16xi32>
    %eq3A_415 = arith.cmpi eq, %get3A_412, %eq3A_414 : vector<16xi32>
    %add3A_416 = arith.constant 96 : i32
    %add3A_417 = vector.broadcast %add3A_416 : i32 to vector<16xi32>
    %add3A_418 = arith.addi %iota3A, %add3A_417 : vector<16xi32>
    %jit3A_419 = arith.constant 0 : i32
    %broadcast_in_dim3A_420 = vector.broadcast %jit3A_419 : i32 to vector<16xi32>
    %select_n3A_421 = arith.select %eq3A_415, %add3A_418, %broadcast_in_dim3A_420 : vector<16xi1>, vector<16xi32>
    %add3A_422 = arith.addi %add3A_410, %select_n3A_421 : vector<16xi32>
    %get3A_423 = arith.constant 496 : index
    %get3A_424 = tpu.vector_load %arg5[%get3A_423] {strides = array<i32>} : memref<2048xi32, #tpu.memory_space<vmem>>, vector<16xi32>,
    %eq3A_425 = arith.constant 40477 : i32
    %eq3A_426 = vector.broadcast %eq3A_425 : i32 to vector<16xi32>
    %eq3A_427 = arith.cmpi eq, %get3A_424, %eq3A_426 : vector<16xi32>
    %add3A_428 = arith.constant 112 : i32
    %add3A_429 = vector.broadcast %add3A_428 : i32 to vector<16xi32>
    %add3A_430 = arith.addi %iota3A, %add3A_429 : vector<16xi32>
    %jit3A_431 = arith.constant 0 : i32
    %broadcast_in_dim3A_432 = vector.broadcast %jit3A_431 : i32 to vector<16xi32>
    %select_n3A_433 = arith.select %eq3A_427, %add3A_430, %broadcast_in_dim3A_432 : vector<16xi1>, vector<16xi32>
    %add3A_434 = arith.addi %add3A_422, %select_n3A_433 : vector<16xi32>
    %reduce_sum3A_435 = arith.constant true
    %reduce_sum3A_436 = vector.broadcast %reduce_sum3A_435 : i1 to vector<16xi1>
    %reduce_sum3A_437 = tpu.scan <sum>, %add3A_434 masked %reduce_sum3A_436 : vector<16xi32>, vector<16xi1> -> vector<16xi32>
    %reduce_sum3A_438 = vector.extract %reduce_sum3A_437[15] : i32 from vector<16xi32>
    %eq3A_439 = arith.constant 3 : i32
    %eq3A_440 = vector.broadcast %eq3A_439 : i32 to vector<16xi32>
    %eq3A_441 = arith.cmpi eq, %iota3A, %eq3A_440 : vector<16xi32>
    %add3A_442 = arith.constant 3 : i32
    %add3A_443 = arith.addi %mul3A_2, %add3A_442 : i32
    %mul3A_444 = arith.constant 128 : i32
    %mul3A_445 = arith.muli %add3A_443, %mul3A_444 : i32
    %add3A_446 = arith.addi %mul3A_445, %reduce_sum3A_438 : i32
    %broadcast_in_dim3A_447 = vector.broadcast %add3A_446 : i32 to vector<16xi32>
    %select_n3A_448 = arith.select %eq3A_441, %broadcast_in_dim3A_447, %select_n3A_336 : vector<16xi1>, vector<16xi32>
    %broadcast_in_dim3A_449 = arith.constant 0 : i32
    %broadcast_in_dim3A_450 = vector.broadcast %broadcast_in_dim3A_449 : i32 to vector<16xi32>
    %get3A_451 = arith.constant 512 : index
    %get3A_452 = tpu.vector_load %arg5[%get3A_451] {strides = array<i32>} : memref<2048xi32, #tpu.memory_space<vmem>>, vector<16xi32>,
    %eq3A_453 = arith.constant 40477 : i32
    %eq3A_454 = vector.broadcast %eq3A_453 : i32 to vector<16xi32>
    %eq3A_455 = arith.cmpi eq, %get3A_452, %eq3A_454 : vector<16xi32>
    %add3A_456 = arith.constant 0 : i32
    %add3A_457 = vector.broadcast %add3A_456 : i32 to vector<16xi32>
    %add3A_458 = arith.addi %iota3A, %add3A_457 : vector<16xi32>
    %jit3A_459 = arith.constant 0 : i32
    %broadcast_in_dim3A_460 = vector.broadcast %jit3A_459 : i32 to vector<16xi32>
    %select_n3A_461 = arith.select %eq3A_455, %add3A_458, %broadcast_in_dim3A_460 : vector<16xi1>, vector<16xi32>
    %add3A_462 = arith.addi %broadcast_in_dim3A_450, %select_n3A_461 : vector<16xi32>
    %get3A_463 = arith.constant 528 : index
    %get3A_464 = tpu.vector_load %arg5[%get3A_463] {strides = array<i32>} : memref<2048xi32, #tpu.memory_space<vmem>>, vector<16xi32>,
    %eq3A_465 = arith.constant 40477 : i32
    %eq3A_466 = vector.broadcast %eq3A_465 : i32 to vector<16xi32>
    %eq3A_467 = arith.cmpi eq, %get3A_464, %eq3A_466 : vector<16xi32>
    %add3A_468 = arith.constant 16 : i32
    %add3A_469 = vector.broadcast %add3A_468 : i32 to vector<16xi32>
    %add3A_470 = arith.addi %iota3A, %add3A_469 : vector<16xi32>
    %jit3A_471 = arith.constant 0 : i32
    %broadcast_in_dim3A_472 = vector.broadcast %jit3A_471 : i32 to vector<16xi32>
    %select_n3A_473 = arith.select %eq3A_467, %add3A_470, %broadcast_in_dim3A_472 : vector<16xi1>, vector<16xi32>
    %add3A_474 = arith.addi %add3A_462, %select_n3A_473 : vector<16xi32>
    %get3A_475 = arith.constant 544 : index
    %get3A_476 = tpu.vector_load %arg5[%get3A_475] {strides = array<i32>} : memref<2048xi32, #tpu.memory_space<vmem>>, vector<16xi32>,
    %eq3A_477 = arith.constant 40477 : i32
    %eq3A_478 = vector.broadcast %eq3A_477 : i32 to vector<16xi32>
    %eq3A_479 = arith.cmpi eq, %get3A_476, %eq3A_478 : vector<16xi32>
    %add3A_480 = arith.constant 32 : i32
    %add3A_481 = vector.broadcast %add3A_480 : i32 to vector<16xi32>
    %add3A_482 = arith.addi %iota3A, %add3A_481 : vector<16xi32>
    %jit3A_483 = arith.constant 0 : i32
    %broadcast_in_dim3A_484 = vector.broadcast %jit3A_483 : i32 to vector<16xi32>
    %select_n3A_485 = arith.select %eq3A_479, %add3A_482, %broadcast_in_dim3A_484 : vector<16xi1>, vector<16xi32>
    %add3A_486 = arith.addi %add3A_474, %select_n3A_485 : vector<16xi32>
    %get3A_487 = arith.constant 560 : index
    %get3A_488 = tpu.vector_load %arg5[%get3A_487] {strides = array<i32>} : memref<2048xi32, #tpu.memory_space<vmem>>, vector<16xi32>,
    %eq3A_489 = arith.constant 40477 : i32
    %eq3A_490 = vector.broadcast %eq3A_489 : i32 to vector<16xi32>
    %eq3A_491 = arith.cmpi eq, %get3A_488, %eq3A_490 : vector<16xi32>
    %add3A_492 = arith.constant 48 : i32
    %add3A_493 = vector.broadcast %add3A_492 : i32 to vector<16xi32>
    %add3A_494 = arith.addi %iota3A, %add3A_493 : vector<16xi32>
    %jit3A_495 = arith.constant 0 : i32
    %broadcast_in_dim3A_496 = vector.broadcast %jit3A_495 : i32 to vector<16xi32>
    %select_n3A_497 = arith.select %eq3A_491, %add3A_494, %broadcast_in_dim3A_496 : vector<16xi1>, vector<16xi32>
    %add3A_498 = arith.addi %add3A_486, %select_n3A_497 : vector<16xi32>
    %get3A_499 = arith.constant 576 : index
    %get3A_500 = tpu.vector_load %arg5[%get3A_499] {strides = array<i32>} : memref<2048xi32, #tpu.memory_space<vmem>>, vector<16xi32>,
    %eq3A_501 = arith.constant 40477 : i32
    %eq3A_502 = vector.broadcast %eq3A_501 : i32 to vector<16xi32>
    %eq3A_503 = arith.cmpi eq, %get3A_500, %eq3A_502 : vector<16xi32>
    %add3A_504 = arith.constant 64 : i32
    %add3A_505 = vector.broadcast %add3A_504 : i32 to vector<16xi32>
    %add3A_506 = arith.addi %iota3A, %add3A_505 : vector<16xi32>
    %jit3A_507 = arith.constant 0 : i32
    %broadcast_in_dim3A_508 = vector.broadcast %jit3A_507 : i32 to vector<16xi32>
    %select_n3A_509 = arith.select %eq3A_503, %add3A_506, %broadcast_in_dim3A_508 : vector<16xi1>, vector<16xi32>
    %add3A_510 = arith.addi %add3A_498, %select_n3A_509 : vector<16xi32>
    %get3A_511 = arith.constant 592 : index
    %get3A_512 = tpu.vector_load %arg5[%get3A_511] {strides = array<i32>} : memref<2048xi32, #tpu.memory_space<vmem>>, vector<16xi32>,
    %eq3A_513 = arith.constant 40477 : i32
    %eq3A_514 = vector.broadcast %eq3A_513 : i32 to vector<16xi32>
    %eq3A_515 = arith.cmpi eq, %get3A_512, %eq3A_514 : vector<16xi32>
    %add3A_516 = arith.constant 80 : i32
    %add3A_517 = vector.broadcast %add3A_516 : i32 to vector<16xi32>
    %add3A_518 = arith.addi %iota3A, %add3A_517 : vector<16xi32>
    %jit3A_519 = arith.constant 0 : i32
    %broadcast_in_dim3A_520 = vector.broadcast %jit3A_519 : i32 to vector<16xi32>
    %select_n3A_521 = arith.select %eq3A_515, %add3A_518, %broadcast_in_dim3A_520 : vector<16xi1>, vector<16xi32>
    %add3A_522 = arith.addi %add3A_510, %select_n3A_521 : vector<16xi32>
    %get3A_523 = arith.constant 608 : index
    %get3A_524 = tpu.vector_load %arg5[%get3A_523] {strides = array<i32>} : memref<2048xi32, #tpu.memory_space<vmem>>, vector<16xi32>,
    %eq3A_525 = arith.constant 40477 : i32
    %eq3A_526 = vector.broadcast %eq3A_525 : i32 to vector<16xi32>
    %eq3A_527 = arith.cmpi eq, %get3A_524, %eq3A_526 : vector<16xi32>
    %add3A_528 = arith.constant 96 : i32
    %add3A_529 = vector.broadcast %add3A_528 : i32 to vector<16xi32>
    %add3A_530 = arith.addi %iota3A, %add3A_529 : vector<16xi32>
    %jit3A_531 = arith.constant 0 : i32
    %broadcast_in_dim3A_532 = vector.broadcast %jit3A_531 : i32 to vector<16xi32>
    %select_n3A_533 = arith.select %eq3A_527, %add3A_530, %broadcast_in_dim3A_532 : vector<16xi1>, vector<16xi32>
    %add3A_534 = arith.addi %add3A_522, %select_n3A_533 : vector<16xi32>
    %get3A_535 = arith.constant 624 : index
    %get3A_536 = tpu.vector_load %arg5[%get3A_535] {strides = array<i32>} : memref<2048xi32, #tpu.memory_space<vmem>>, vector<16xi32>,
    %eq3A_537 = arith.constant 40477 : i32
    %eq3A_538 = vector.broadcast %eq3A_537 : i32 to vector<16xi32>
    %eq3A_539 = arith.cmpi eq, %get3A_536, %eq3A_538 : vector<16xi32>
    %add3A_540 = arith.constant 112 : i32
    %add3A_541 = vector.broadcast %add3A_540 : i32 to vector<16xi32>
    %add3A_542 = arith.addi %iota3A, %add3A_541 : vector<16xi32>
    %jit3A_543 = arith.constant 0 : i32
    %broadcast_in_dim3A_544 = vector.broadcast %jit3A_543 : i32 to vector<16xi32>
    %select_n3A_545 = arith.select %eq3A_539, %add3A_542, %broadcast_in_dim3A_544 : vector<16xi1>, vector<16xi32>
    %add3A_546 = arith.addi %add3A_534, %select_n3A_545 : vector<16xi32>
    %reduce_sum3A_547 = arith.constant true
    %reduce_sum3A_548 = vector.broadcast %reduce_sum3A_547 : i1 to vector<16xi1>
    %reduce_sum3A_549 = tpu.scan <sum>, %add3A_546 masked %reduce_sum3A_548 : vector<16xi32>, vector<16xi1> -> vector<16xi32>
    %reduce_sum3A_550 = vector.extract %reduce_sum3A_549[15] : i32 from vector<16xi32>
    %eq3A_551 = arith.constant 4 : i32
    %eq3A_552 = vector.broadcast %eq3A_551 : i32 to vector<16xi32>
    %eq3A_553 = arith.cmpi eq, %iota3A, %eq3A_552 : vector<16xi32>
    %add3A_554 = arith.constant 4 : i32
    %add3A_555 = arith.addi %mul3A_2, %add3A_554 : i32
    %mul3A_556 = arith.constant 128 : i32
    %mul3A_557 = arith.muli %add3A_555, %mul3A_556 : i32
    %add3A_558 = arith.addi %mul3A_557, %reduce_sum3A_550 : i32
    %broadcast_in_dim3A_559 = vector.broadcast %add3A_558 : i32 to vector<16xi32>
    %select_n3A_560 = arith.select %eq3A_553, %broadcast_in_dim3A_559, %select_n3A_448 : vector<16xi1>, vector<16xi32>
    %broadcast_in_dim3A_561 = arith.constant 0 : i32
    %broadcast_in_dim3A_562 = vector.broadcast %broadcast_in_dim3A_561 : i32 to vector<16xi32>
    %get3A_563 = arith.constant 640 : index
    %get3A_564 = tpu.vector_load %arg5[%get3A_563] {strides = array<i32>} : memref<2048xi32, #tpu.memory_space<vmem>>, vector<16xi32>,
    %eq3A_565 = arith.constant 40477 : i32
    %eq3A_566 = vector.broadcast %eq3A_565 : i32 to vector<16xi32>
    %eq3A_567 = arith.cmpi eq, %get3A_564, %eq3A_566 : vector<16xi32>
    %add3A_568 = arith.constant 0 : i32
    %add3A_569 = vector.broadcast %add3A_568 : i32 to vector<16xi32>
    %add3A_570 = arith.addi %iota3A, %add3A_569 : vector<16xi32>
    %jit3A_571 = arith.constant 0 : i32
    %broadcast_in_dim3A_572 = vector.broadcast %jit3A_571 : i32 to vector<16xi32>
    %select_n3A_573 = arith.select %eq3A_567, %add3A_570, %broadcast_in_dim3A_572 : vector<16xi1>, vector<16xi32>
    %add3A_574 = arith.addi %broadcast_in_dim3A_562, %select_n3A_573 : vector<16xi32>
    %get3A_575 = arith.constant 656 : index
    %get3A_576 = tpu.vector_load %arg5[%get3A_575] {strides = array<i32>} : memref<2048xi32, #tpu.memory_space<vmem>>, vector<16xi32>,
    %eq3A_577 = arith.constant 40477 : i32
    %eq3A_578 = vector.broadcast %eq3A_577 : i32 to vector<16xi32>
    %eq3A_579 = arith.cmpi eq, %get3A_576, %eq3A_578 : vector<16xi32>
    %add3A_580 = arith.constant 16 : i32
    %add3A_581 = vector.broadcast %add3A_580 : i32 to vector<16xi32>
    %add3A_582 = arith.addi %iota3A, %add3A_581 : vector<16xi32>
    %jit3A_583 = arith.constant 0 : i32
    %broadcast_in_dim3A_584 = vector.broadcast %jit3A_583 : i32 to vector<16xi32>
    %select_n3A_585 = arith.select %eq3A_579, %add3A_582, %broadcast_in_dim3A_584 : vector<16xi1>, vector<16xi32>
    %add3A_586 = arith.addi %add3A_574, %select_n3A_585 : vector<16xi32>
    %get3A_587 = arith.constant 672 : index
    %get3A_588 = tpu.vector_load %arg5[%get3A_587] {strides = array<i32>} : memref<2048xi32, #tpu.memory_space<vmem>>, vector<16xi32>,
    %eq3A_589 = arith.constant 40477 : i32
    %eq3A_590 = vector.broadcast %eq3A_589 : i32 to vector<16xi32>
    %eq3A_591 = arith.cmpi eq, %get3A_588, %eq3A_590 : vector<16xi32>
    %add3A_592 = arith.constant 32 : i32
    %add3A_593 = vector.broadcast %add3A_592 : i32 to vector<16xi32>
    %add3A_594 = arith.addi %iota3A, %add3A_593 : vector<16xi32>
    %jit3A_595 = arith.constant 0 : i32
    %broadcast_in_dim3A_596 = vector.broadcast %jit3A_595 : i32 to vector<16xi32>
    %select_n3A_597 = arith.select %eq3A_591, %add3A_594, %broadcast_in_dim3A_596 : vector<16xi1>, vector<16xi32>
    %add3A_598 = arith.addi %add3A_586, %select_n3A_597 : vector<16xi32>
    %get3A_599 = arith.constant 688 : index
    %get3A_600 = tpu.vector_load %arg5[%get3A_599] {strides = array<i32>} : memref<2048xi32, #tpu.memory_space<vmem>>, vector<16xi32>,
    %eq3A_601 = arith.constant 40477 : i32
    %eq3A_602 = vector.broadcast %eq3A_601 : i32 to vector<16xi32>
    %eq3A_603 = arith.cmpi eq, %get3A_600, %eq3A_602 : vector<16xi32>
    %add3A_604 = arith.constant 48 : i32
    %add3A_605 = vector.broadcast %add3A_604 : i32 to vector<16xi32>
    %add3A_606 = arith.addi %iota3A, %add3A_605 : vector<16xi32>
    %jit3A_607 = arith.constant 0 : i32
    %broadcast_in_dim3A_608 = vector.broadcast %jit3A_607 : i32 to vector<16xi32>
    %select_n3A_609 = arith.select %eq3A_603, %add3A_606, %broadcast_in_dim3A_608 : vector<16xi1>, vector<16xi32>
    %add3A_610 = arith.addi %add3A_598, %select_n3A_609 : vector<16xi32>
    %get3A_611 = arith.constant 704 : index
    %get3A_612 = tpu.vector_load %arg5[%get3A_611] {strides = array<i32>} : memref<2048xi32, #tpu.memory_space<vmem>>, vector<16xi32>,
    %eq3A_613 = arith.constant 40477 : i32
    %eq3A_614 = vector.broadcast %eq3A_613 : i32 to vector<16xi32>
    %eq3A_615 = arith.cmpi eq, %get3A_612, %eq3A_614 : vector<16xi32>
    %add3A_616 = arith.constant 64 : i32
    %add3A_617 = vector.broadcast %add3A_616 : i32 to vector<16xi32>
    %add3A_618 = arith.addi %iota3A, %add3A_617 : vector<16xi32>
    %jit3A_619 = arith.constant 0 : i32
    %broadcast_in_dim3A_620 = vector.broadcast %jit3A_619 : i32 to vector<16xi32>
    %select_n3A_621 = arith.select %eq3A_615, %add3A_618, %broadcast_in_dim3A_620 : vector<16xi1>, vector<16xi32>
    %add3A_622 = arith.addi %add3A_610, %select_n3A_621 : vector<16xi32>
    %get3A_623 = arith.constant 720 : index
    %get3A_624 = tpu.vector_load %arg5[%get3A_623] {strides = array<i32>} : memref<2048xi32, #tpu.memory_space<vmem>>, vector<16xi32>,
    %eq3A_625 = arith.constant 40477 : i32
    %eq3A_626 = vector.broadcast %eq3A_625 : i32 to vector<16xi32>
    %eq3A_627 = arith.cmpi eq, %get3A_624, %eq3A_626 : vector<16xi32>
    %add3A_628 = arith.constant 80 : i32
    %add3A_629 = vector.broadcast %add3A_628 : i32 to vector<16xi32>
    %add3A_630 = arith.addi %iota3A, %add3A_629 : vector<16xi32>
    %jit3A_631 = arith.constant 0 : i32
    %broadcast_in_dim3A_632 = vector.broadcast %jit3A_631 : i32 to vector<16xi32>
    %select_n3A_633 = arith.select %eq3A_627, %add3A_630, %broadcast_in_dim3A_632 : vector<16xi1>, vector<16xi32>
    %add3A_634 = arith.addi %add3A_622, %select_n3A_633 : vector<16xi32>
    %get3A_635 = arith.constant 736 : index
    %get3A_636 = tpu.vector_load %arg5[%get3A_635] {strides = array<i32>} : memref<2048xi32, #tpu.memory_space<vmem>>, vector<16xi32>,
    %eq3A_637 = arith.constant 40477 : i32
    %eq3A_638 = vector.broadcast %eq3A_637 : i32 to vector<16xi32>
    %eq3A_639 = arith.cmpi eq, %get3A_636, %eq3A_638 : vector<16xi32>
    %add3A_640 = arith.constant 96 : i32
    %add3A_641 = vector.broadcast %add3A_640 : i32 to vector<16xi32>
    %add3A_642 = arith.addi %iota3A, %add3A_641 : vector<16xi32>
    %jit3A_643 = arith.constant 0 : i32
    %broadcast_in_dim3A_644 = vector.broadcast %jit3A_643 : i32 to vector<16xi32>
    %select_n3A_645 = arith.select %eq3A_639, %add3A_642, %broadcast_in_dim3A_644 : vector<16xi1>, vector<16xi32>
    %add3A_646 = arith.addi %add3A_634, %select_n3A_645 : vector<16xi32>
    %get3A_647 = arith.constant 752 : index
    %get3A_648 = tpu.vector_load %arg5[%get3A_647] {strides = array<i32>} : memref<2048xi32, #tpu.memory_space<vmem>>, vector<16xi32>,
    %eq3A_649 = arith.constant 40477 : i32
    %eq3A_650 = vector.broadcast %eq3A_649 : i32 to vector<16xi32>
    %eq3A_651 = arith.cmpi eq, %get3A_648, %eq3A_650 : vector<16xi32>
    %add3A_652 = arith.constant 112 : i32
    %add3A_653 = vector.broadcast %add3A_652 : i32 to vector<16xi32>
    %add3A_654 = arith.addi %iota3A, %add3A_653 : vector<16xi32>
    %jit3A_655 = arith.constant 0 : i32
    %broadcast_in_dim3A_656 = vector.broadcast %jit3A_655 : i32 to vector<16xi32>
    %select_n3A_657 = arith.select %eq3A_651, %add3A_654, %broadcast_in_dim3A_656 : vector<16xi1>, vector<16xi32>
    %add3A_658 = arith.addi %add3A_646, %select_n3A_657 : vector<16xi32>
    %reduce_sum3A_659 = arith.constant true
    %reduce_sum3A_660 = vector.broadcast %reduce_sum3A_659 : i1 to vector<16xi1>
    %reduce_sum3A_661 = tpu.scan <sum>, %add3A_658 masked %reduce_sum3A_660 : vector<16xi32>, vector<16xi1> -> vector<16xi32>
    %reduce_sum3A_662 = vector.extract %reduce_sum3A_661[15] : i32 from vector<16xi32>
    %eq3A_663 = arith.constant 5 : i32
    %eq3A_664 = vector.broadcast %eq3A_663 : i32 to vector<16xi32>
    %eq3A_665 = arith.cmpi eq, %iota3A, %eq3A_664 : vector<16xi32>
    %add3A_666 = arith.constant 5 : i32
    %add3A_667 = arith.addi %mul3A_2, %add3A_666 : i32
    %mul3A_668 = arith.constant 128 : i32
    %mul3A_669 = arith.muli %add3A_667, %mul3A_668 : i32
    %add3A_670 = arith.addi %mul3A_669, %reduce_sum3A_662 : i32
    %broadcast_in_dim3A_671 = vector.broadcast %add3A_670 : i32 to vector<16xi32>
    %select_n3A_672 = arith.select %eq3A_665, %broadcast_in_dim3A_671, %select_n3A_560 : vector<16xi1>, vector<16xi32>
    %broadcast_in_dim3A_673 = arith.constant 0 : i32
    %broadcast_in_dim3A_674 = vector.broadcast %broadcast_in_dim3A_673 : i32 to vector<16xi32>
    %get3A_675 = arith.constant 768 : index
    %get3A_676 = tpu.vector_load %arg5[%get3A_675] {strides = array<i32>} : memref<2048xi32, #tpu.memory_space<vmem>>, vector<16xi32>,
    %eq3A_677 = arith.constant 40477 : i32
    %eq3A_678 = vector.broadcast %eq3A_677 : i32 to vector<16xi32>
    %eq3A_679 = arith.cmpi eq, %get3A_676, %eq3A_678 : vector<16xi32>
    %add3A_680 = arith.constant 0 : i32
    %add3A_681 = vector.broadcast %add3A_680 : i32 to vector<16xi32>
    %add3A_682 = arith.addi %iota3A, %add3A_681 : vector<16xi32>
    %jit3A_683 = arith.constant 0 : i32
    %broadcast_in_dim3A_684 = vector.broadcast %jit3A_683 : i32 to vector<16xi32>
    %select_n3A_685 = arith.select %eq3A_679, %add3A_682, %broadcast_in_dim3A_684 : vector<16xi1>, vector<16xi32>
    %add3A_686 = arith.addi %broadcast_in_dim3A_674, %select_n3A_685 : vector<16xi32>
    %get3A_687 = arith.constant 784 : index
    %get3A_688 = tpu.vector_load %arg5[%get3A_687] {strides = array<i32>} : memref<2048xi32, #tpu.memory_space<vmem>>, vector<16xi32>,
    %eq3A_689 = arith.constant 40477 : i32
    %eq3A_690 = vector.broadcast %eq3A_689 : i32 to vector<16xi32>
    %eq3A_691 = arith.cmpi eq, %get3A_688, %eq3A_690 : vector<16xi32>
    %add3A_692 = arith.constant 16 : i32
    %add3A_693 = vector.broadcast %add3A_692 : i32 to vector<16xi32>
    %add3A_694 = arith.addi %iota3A, %add3A_693 : vector<16xi32>
    %jit3A_695 = arith.constant 0 : i32
    %broadcast_in_dim3A_696 = vector.broadcast %jit3A_695 : i32 to vector<16xi32>
    %select_n3A_697 = arith.select %eq3A_691, %add3A_694, %broadcast_in_dim3A_696 : vector<16xi1>, vector<16xi32>
    %add3A_698 = arith.addi %add3A_686, %select_n3A_697 : vector<16xi32>
    %get3A_699 = arith.constant 800 : index
    %get3A_700 = tpu.vector_load %arg5[%get3A_699] {strides = array<i32>} : memref<2048xi32, #tpu.memory_space<vmem>>, vector<16xi32>,
    %eq3A_701 = arith.constant 40477 : i32
    %eq3A_702 = vector.broadcast %eq3A_701 : i32 to vector<16xi32>
    %eq3A_703 = arith.cmpi eq, %get3A_700, %eq3A_702 : vector<16xi32>
    %add3A_704 = arith.constant 32 : i32
    %add3A_705 = vector.broadcast %add3A_704 : i32 to vector<16xi32>
    %add3A_706 = arith.addi %iota3A, %add3A_705 : vector<16xi32>
    %jit3A_707 = arith.constant 0 : i32
    %broadcast_in_dim3A_708 = vector.broadcast %jit3A_707 : i32 to vector<16xi32>
    %select_n3A_709 = arith.select %eq3A_703, %add3A_706, %broadcast_in_dim3A_708 : vector<16xi1>, vector<16xi32>
    %add3A_710 = arith.addi %add3A_698, %select_n3A_709 : vector<16xi32>
    %get3A_711 = arith.constant 816 : index
    %get3A_712 = tpu.vector_load %arg5[%get3A_711] {strides = array<i32>} : memref<2048xi32, #tpu.memory_space<vmem>>, vector<16xi32>,
    %eq3A_713 = arith.constant 40477 : i32
    %eq3A_714 = vector.broadcast %eq3A_713 : i32 to vector<16xi32>
    %eq3A_715 = arith.cmpi eq, %get3A_712, %eq3A_714 : vector<16xi32>
    %add3A_716 = arith.constant 48 : i32
    %add3A_717 = vector.broadcast %add3A_716 : i32 to vector<16xi32>
    %add3A_718 = arith.addi %iota3A, %add3A_717 : vector<16xi32>
    %jit3A_719 = arith.constant 0 : i32
    %broadcast_in_dim3A_720 = vector.broadcast %jit3A_719 : i32 to vector<16xi32>
    %select_n3A_721 = arith.select %eq3A_715, %add3A_718, %broadcast_in_dim3A_720 : vector<16xi1>, vector<16xi32>
    %add3A_722 = arith.addi %add3A_710, %select_n3A_721 : vector<16xi32>
    %get3A_723 = arith.constant 832 : index
    %get3A_724 = tpu.vector_load %arg5[%get3A_723] {strides = array<i32>} : memref<2048xi32, #tpu.memory_space<vmem>>, vector<16xi32>,
    %eq3A_725 = arith.constant 40477 : i32
    %eq3A_726 = vector.broadcast %eq3A_725 : i32 to vector<16xi32>
    %eq3A_727 = arith.cmpi eq, %get3A_724, %eq3A_726 : vector<16xi32>
    %add3A_728 = arith.constant 64 : i32
    %add3A_729 = vector.broadcast %add3A_728 : i32 to vector<16xi32>
    %add3A_730 = arith.addi %iota3A, %add3A_729 : vector<16xi32>
    %jit3A_731 = arith.constant 0 : i32
    %broadcast_in_dim3A_732 = vector.broadcast %jit3A_731 : i32 to vector<16xi32>
    %select_n3A_733 = arith.select %eq3A_727, %add3A_730, %broadcast_in_dim3A_732 : vector<16xi1>, vector<16xi32>
    %add3A_734 = arith.addi %add3A_722, %select_n3A_733 : vector<16xi32>
    %get3A_735 = arith.constant 848 : index
    %get3A_736 = tpu.vector_load %arg5[%get3A_735] {strides = array<i32>} : memref<2048xi32, #tpu.memory_space<vmem>>, vector<16xi32>,
    %eq3A_737 = arith.constant 40477 : i32
    %eq3A_738 = vector.broadcast %eq3A_737 : i32 to vector<16xi32>
    %eq3A_739 = arith.cmpi eq, %get3A_736, %eq3A_738 : vector<16xi32>
    %add3A_740 = arith.constant 80 : i32
    %add3A_741 = vector.broadcast %add3A_740 : i32 to vector<16xi32>
    %add3A_742 = arith.addi %iota3A, %add3A_741 : vector<16xi32>
    %jit3A_743 = arith.constant 0 : i32
    %broadcast_in_dim3A_744 = vector.broadcast %jit3A_743 : i32 to vector<16xi32>
    %select_n3A_745 = arith.select %eq3A_739, %add3A_742, %broadcast_in_dim3A_744 : vector<16xi1>, vector<16xi32>
    %add3A_746 = arith.addi %add3A_734, %select_n3A_745 : vector<16xi32>
    %get3A_747 = arith.constant 864 : index
    %get3A_748 = tpu.vector_load %arg5[%get3A_747] {strides = array<i32>} : memref<2048xi32, #tpu.memory_space<vmem>>, vector<16xi32>,
    %eq3A_749 = arith.constant 40477 : i32
    %eq3A_750 = vector.broadcast %eq3A_749 : i32 to vector<16xi32>
    %eq3A_751 = arith.cmpi eq, %get3A_748, %eq3A_750 : vector<16xi32>
    %add3A_752 = arith.constant 96 : i32
    %add3A_753 = vector.broadcast %add3A_752 : i32 to vector<16xi32>
    %add3A_754 = arith.addi %iota3A, %add3A_753 : vector<16xi32>
    %jit3A_755 = arith.constant 0 : i32
    %broadcast_in_dim3A_756 = vector.broadcast %jit3A_755 : i32 to vector<16xi32>
    %select_n3A_757 = arith.select %eq3A_751, %add3A_754, %broadcast_in_dim3A_756 : vector<16xi1>, vector<16xi32>
    %add3A_758 = arith.addi %add3A_746, %select_n3A_757 : vector<16xi32>
    %get3A_759 = arith.constant 880 : index
    %get3A_760 = tpu.vector_load %arg5[%get3A_759] {strides = array<i32>} : memref<2048xi32, #tpu.memory_space<vmem>>, vector<16xi32>,
    %eq3A_761 = arith.constant 40477 : i32
    %eq3A_762 = vector.broadcast %eq3A_761 : i32 to vector<16xi32>
    %eq3A_763 = arith.cmpi eq, %get3A_760, %eq3A_762 : vector<16xi32>
    %add3A_764 = arith.constant 112 : i32
    %add3A_765 = vector.broadcast %add3A_764 : i32 to vector<16xi32>
    %add3A_766 = arith.addi %iota3A, %add3A_765 : vector<16xi32>
    %jit3A_767 = arith.constant 0 : i32
    %broadcast_in_dim3A_768 = vector.broadcast %jit3A_767 : i32 to vector<16xi32>
    %select_n3A_769 = arith.select %eq3A_763, %add3A_766, %broadcast_in_dim3A_768 : vector<16xi1>, vector<16xi32>
    %add3A_770 = arith.addi %add3A_758, %select_n3A_769 : vector<16xi32>
    %reduce_sum3A_771 = arith.constant true
    %reduce_sum3A_772 = vector.broadcast %reduce_sum3A_771 : i1 to vector<16xi1>
    %reduce_sum3A_773 = tpu.scan <sum>, %add3A_770 masked %reduce_sum3A_772 : vector<16xi32>, vector<16xi1> -> vector<16xi32>
    %reduce_sum3A_774 = vector.extract %reduce_sum3A_773[15] : i32 from vector<16xi32>
    %eq3A_775 = arith.constant 6 : i32
    %eq3A_776 = vector.broadcast %eq3A_775 : i32 to vector<16xi32>
    %eq3A_777 = arith.cmpi eq, %iota3A, %eq3A_776 : vector<16xi32>
    %add3A_778 = arith.constant 6 : i32
    %add3A_779 = arith.addi %mul3A_2, %add3A_778 : i32
    %mul3A_780 = arith.constant 128 : i32
    %mul3A_781 = arith.muli %add3A_779, %mul3A_780 : i32
    %add3A_782 = arith.addi %mul3A_781, %reduce_sum3A_774 : i32
    %broadcast_in_dim3A_783 = vector.broadcast %add3A_782 : i32 to vector<16xi32>
    %select_n3A_784 = arith.select %eq3A_777, %broadcast_in_dim3A_783, %select_n3A_672 : vector<16xi1>, vector<16xi32>
    %broadcast_in_dim3A_785 = arith.constant 0 : i32
    %broadcast_in_dim3A_786 = vector.broadcast %broadcast_in_dim3A_785 : i32 to vector<16xi32>
    %get3A_787 = arith.constant 896 : index
    %get3A_788 = tpu.vector_load %arg5[%get3A_787] {strides = array<i32>} : memref<2048xi32, #tpu.memory_space<vmem>>, vector<16xi32>,
    %eq3A_789 = arith.constant 40477 : i32
    %eq3A_790 = vector.broadcast %eq3A_789 : i32 to vector<16xi32>
    %eq3A_791 = arith.cmpi eq, %get3A_788, %eq3A_790 : vector<16xi32>
    %add3A_792 = arith.constant 0 : i32
    %add3A_793 = vector.broadcast %add3A_792 : i32 to vector<16xi32>
    %add3A_794 = arith.addi %iota3A, %add3A_793 : vector<16xi32>
    %jit3A_795 = arith.constant 0 : i32
    %broadcast_in_dim3A_796 = vector.broadcast %jit3A_795 : i32 to vector<16xi32>
    %select_n3A_797 = arith.select %eq3A_791, %add3A_794, %broadcast_in_dim3A_796 : vector<16xi1>, vector<16xi32>
    %add3A_798 = arith.addi %broadcast_in_dim3A_786, %select_n3A_797 : vector<16xi32>
    %get3A_799 = arith.constant 912 : index
    %get3A_800 = tpu.vector_load %arg5[%get3A_799] {strides = array<i32>} : memref<2048xi32, #tpu.memory_space<vmem>>, vector<16xi32>,
    %eq3A_801 = arith.constant 40477 : i32
    %eq3A_802 = vector.broadcast %eq3A_801 : i32 to vector<16xi32>
    %eq3A_803 = arith.cmpi eq, %get3A_800, %eq3A_802 : vector<16xi32>
    %add3A_804 = arith.constant 16 : i32
    %add3A_805 = vector.broadcast %add3A_804 : i32 to vector<16xi32>
    %add3A_806 = arith.addi %iota3A, %add3A_805 : vector<16xi32>
    %jit3A_807 = arith.constant 0 : i32
    %broadcast_in_dim3A_808 = vector.broadcast %jit3A_807 : i32 to vector<16xi32>
    %select_n3A_809 = arith.select %eq3A_803, %add3A_806, %broadcast_in_dim3A_808 : vector<16xi1>, vector<16xi32>
    %add3A_810 = arith.addi %add3A_798, %select_n3A_809 : vector<16xi32>
    %get3A_811 = arith.constant 928 : index
    %get3A_812 = tpu.vector_load %arg5[%get3A_811] {strides = array<i32>} : memref<2048xi32, #tpu.memory_space<vmem>>, vector<16xi32>,
    %eq3A_813 = arith.constant 40477 : i32
    %eq3A_814 = vector.broadcast %eq3A_813 : i32 to vector<16xi32>
    %eq3A_815 = arith.cmpi eq, %get3A_812, %eq3A_814 : vector<16xi32>
    %add3A_816 = arith.constant 32 : i32
    %add3A_817 = vector.broadcast %add3A_816 : i32 to vector<16xi32>
    %add3A_818 = arith.addi %iota3A, %add3A_817 : vector<16xi32>
    %jit3A_819 = arith.constant 0 : i32
    %broadcast_in_dim3A_820 = vector.broadcast %jit3A_819 : i32 to vector<16xi32>
    %select_n3A_821 = arith.select %eq3A_815, %add3A_818, %broadcast_in_dim3A_820 : vector<16xi1>, vector<16xi32>
    %add3A_822 = arith.addi %add3A_810, %select_n3A_821 : vector<16xi32>
    %get3A_823 = arith.constant 944 : index
    %get3A_824 = tpu.vector_load %arg5[%get3A_823] {strides = array<i32>} : memref<2048xi32, #tpu.memory_space<vmem>>, vector<16xi32>,
    %eq3A_825 = arith.constant 40477 : i32
    %eq3A_826 = vector.broadcast %eq3A_825 : i32 to vector<16xi32>
    %eq3A_827 = arith.cmpi eq, %get3A_824, %eq3A_826 : vector<16xi32>
    %add3A_828 = arith.constant 48 : i32
    %add3A_829 = vector.broadcast %add3A_828 : i32 to vector<16xi32>
    %add3A_830 = arith.addi %iota3A, %add3A_829 : vector<16xi32>
    %jit3A_831 = arith.constant 0 : i32
    %broadcast_in_dim3A_832 = vector.broadcast %jit3A_831 : i32 to vector<16xi32>
    %select_n3A_833 = arith.select %eq3A_827, %add3A_830, %broadcast_in_dim3A_832 : vector<16xi1>, vector<16xi32>
    %add3A_834 = arith.addi %add3A_822, %select_n3A_833 : vector<16xi32>
    %get3A_835 = arith.constant 960 : index
    %get3A_836 = tpu.vector_load %arg5[%get3A_835] {strides = array<i32>} : memref<2048xi32, #tpu.memory_space<vmem>>, vector<16xi32>,
    %eq3A_837 = arith.constant 40477 : i32
    %eq3A_838 = vector.broadcast %eq3A_837 : i32 to vector<16xi32>
    %eq3A_839 = arith.cmpi eq, %get3A_836, %eq3A_838 : vector<16xi32>
    %add3A_840 = arith.constant 64 : i32
    %add3A_841 = vector.broadcast %add3A_840 : i32 to vector<16xi32>
    %add3A_842 = arith.addi %iota3A, %add3A_841 : vector<16xi32>
    %jit3A_843 = arith.constant 0 : i32
    %broadcast_in_dim3A_844 = vector.broadcast %jit3A_843 : i32 to vector<16xi32>
    %select_n3A_845 = arith.select %eq3A_839, %add3A_842, %broadcast_in_dim3A_844 : vector<16xi1>, vector<16xi32>
    %add3A_846 = arith.addi %add3A_834, %select_n3A_845 : vector<16xi32>
    %get3A_847 = arith.constant 976 : index
    %get3A_848 = tpu.vector_load %arg5[%get3A_847] {strides = array<i32>} : memref<2048xi32, #tpu.memory_space<vmem>>, vector<16xi32>,
    %eq3A_849 = arith.constant 40477 : i32
    %eq3A_850 = vector.broadcast %eq3A_849 : i32 to vector<16xi32>
    %eq3A_851 = arith.cmpi eq, %get3A_848, %eq3A_850 : vector<16xi32>
    %add3A_852 = arith.constant 80 : i32
    %add3A_853 = vector.broadcast %add3A_852 : i32 to vector<16xi32>
    %add3A_854 = arith.addi %iota3A, %add3A_853 : vector<16xi32>
    %jit3A_855 = arith.constant 0 : i32
    %broadcast_in_dim3A_856 = vector.broadcast %jit3A_855 : i32 to vector<16xi32>
    %select_n3A_857 = arith.select %eq3A_851, %add3A_854, %broadcast_in_dim3A_856 : vector<16xi1>, vector<16xi32>
    %add3A_858 = arith.addi %add3A_846, %select_n3A_857 : vector<16xi32>
    %get3A_859 = arith.constant 992 : index
    %get3A_860 = tpu.vector_load %arg5[%get3A_859] {strides = array<i32>} : memref<2048xi32, #tpu.memory_space<vmem>>, vector<16xi32>,
    %eq3A_861 = arith.constant 40477 : i32
    %eq3A_862 = vector.broadcast %eq3A_861 : i32 to vector<16xi32>
    %eq3A_863 = arith.cmpi eq, %get3A_860, %eq3A_862 : vector<16xi32>
    %add3A_864 = arith.constant 96 : i32
    %add3A_865 = vector.broadcast %add3A_864 : i32 to vector<16xi32>
    %add3A_866 = arith.addi %iota3A, %add3A_865 : vector<16xi32>
    %jit3A_867 = arith.constant 0 : i32
    %broadcast_in_dim3A_868 = vector.broadcast %jit3A_867 : i32 to vector<16xi32>
    %select_n3A_869 = arith.select %eq3A_863, %add3A_866, %broadcast_in_dim3A_868 : vector<16xi1>, vector<16xi32>
    %add3A_870 = arith.addi %add3A_858, %select_n3A_869 : vector<16xi32>
    %get3A_871 = arith.constant 1008 : index
    %get3A_872 = tpu.vector_load %arg5[%get3A_871] {strides = array<i32>} : memref<2048xi32, #tpu.memory_space<vmem>>, vector<16xi32>,
    %eq3A_873 = arith.constant 40477 : i32
    %eq3A_874 = vector.broadcast %eq3A_873 : i32 to vector<16xi32>
    %eq3A_875 = arith.cmpi eq, %get3A_872, %eq3A_874 : vector<16xi32>
    %add3A_876 = arith.constant 112 : i32
    %add3A_877 = vector.broadcast %add3A_876 : i32 to vector<16xi32>
    %add3A_878 = arith.addi %iota3A, %add3A_877 : vector<16xi32>
    %jit3A_879 = arith.constant 0 : i32
    %broadcast_in_dim3A_880 = vector.broadcast %jit3A_879 : i32 to vector<16xi32>
    %select_n3A_881 = arith.select %eq3A_875, %add3A_878, %broadcast_in_dim3A_880 : vector<16xi1>, vector<16xi32>
    %add3A_882 = arith.addi %add3A_870, %select_n3A_881 : vector<16xi32>
    %reduce_sum3A_883 = arith.constant true
    %reduce_sum3A_884 = vector.broadcast %reduce_sum3A_883 : i1 to vector<16xi1>
    %reduce_sum3A_885 = tpu.scan <sum>, %add3A_882 masked %reduce_sum3A_884 : vector<16xi32>, vector<16xi1> -> vector<16xi32>
    %reduce_sum3A_886 = vector.extract %reduce_sum3A_885[15] : i32 from vector<16xi32>
    %eq3A_887 = arith.constant 7 : i32
    %eq3A_888 = vector.broadcast %eq3A_887 : i32 to vector<16xi32>
    %eq3A_889 = arith.cmpi eq, %iota3A, %eq3A_888 : vector<16xi32>
    %add3A_890 = arith.constant 7 : i32
    %add3A_891 = arith.addi %mul3A_2, %add3A_890 : i32
    %mul3A_892 = arith.constant 128 : i32
    %mul3A_893 = arith.muli %add3A_891, %mul3A_892 : i32
    %add3A_894 = arith.addi %mul3A_893, %reduce_sum3A_886 : i32
    %broadcast_in_dim3A_895 = vector.broadcast %add3A_894 : i32 to vector<16xi32>
    %select_n3A_896 = arith.select %eq3A_889, %broadcast_in_dim3A_895, %select_n3A_784 : vector<16xi1>, vector<16xi32>
    %broadcast_in_dim3A_897 = arith.constant 0 : i32
    %broadcast_in_dim3A_898 = vector.broadcast %broadcast_in_dim3A_897 : i32 to vector<16xi32>
    %get3A_899 = arith.constant 1024 : index
    %get3A_900 = tpu.vector_load %arg5[%get3A_899] {strides = array<i32>} : memref<2048xi32, #tpu.memory_space<vmem>>, vector<16xi32>,
    %eq3A_901 = arith.constant 40477 : i32
    %eq3A_902 = vector.broadcast %eq3A_901 : i32 to vector<16xi32>
    %eq3A_903 = arith.cmpi eq, %get3A_900, %eq3A_902 : vector<16xi32>
    %add3A_904 = arith.constant 0 : i32
    %add3A_905 = vector.broadcast %add3A_904 : i32 to vector<16xi32>
    %add3A_906 = arith.addi %iota3A, %add3A_905 : vector<16xi32>
    %jit3A_907 = arith.constant 0 : i32
    %broadcast_in_dim3A_908 = vector.broadcast %jit3A_907 : i32 to vector<16xi32>
    %select_n3A_909 = arith.select %eq3A_903, %add3A_906, %broadcast_in_dim3A_908 : vector<16xi1>, vector<16xi32>
    %add3A_910 = arith.addi %broadcast_in_dim3A_898, %select_n3A_909 : vector<16xi32>
    %get3A_911 = arith.constant 1040 : index
    %get3A_912 = tpu.vector_load %arg5[%get3A_911] {strides = array<i32>} : memref<2048xi32, #tpu.memory_space<vmem>>, vector<16xi32>,
    %eq3A_913 = arith.constant 40477 : i32
    %eq3A_914 = vector.broadcast %eq3A_913 : i32 to vector<16xi32>
    %eq3A_915 = arith.cmpi eq, %get3A_912, %eq3A_914 : vector<16xi32>
    %add3A_916 = arith.constant 16 : i32
    %add3A_917 = vector.broadcast %add3A_916 : i32 to vector<16xi32>
    %add3A_918 = arith.addi %iota3A, %add3A_917 : vector<16xi32>
    %jit3A_919 = arith.constant 0 : i32
    %broadcast_in_dim3A_920 = vector.broadcast %jit3A_919 : i32 to vector<16xi32>
    %select_n3A_921 = arith.select %eq3A_915, %add3A_918, %broadcast_in_dim3A_920 : vector<16xi1>, vector<16xi32>
    %add3A_922 = arith.addi %add3A_910, %select_n3A_921 : vector<16xi32>
    %get3A_923 = arith.constant 1056 : index
    %get3A_924 = tpu.vector_load %arg5[%get3A_923] {strides = array<i32>} : memref<2048xi32, #tpu.memory_space<vmem>>, vector<16xi32>,
    %eq3A_925 = arith.constant 40477 : i32
    %eq3A_926 = vector.broadcast %eq3A_925 : i32 to vector<16xi32>
    %eq3A_927 = arith.cmpi eq, %get3A_924, %eq3A_926 : vector<16xi32>
    %add3A_928 = arith.constant 32 : i32
    %add3A_929 = vector.broadcast %add3A_928 : i32 to vector<16xi32>
    %add3A_930 = arith.addi %iota3A, %add3A_929 : vector<16xi32>
    %jit3A_931 = arith.constant 0 : i32
    %broadcast_in_dim3A_932 = vector.broadcast %jit3A_931 : i32 to vector<16xi32>
    %select_n3A_933 = arith.select %eq3A_927, %add3A_930, %broadcast_in_dim3A_932 : vector<16xi1>, vector<16xi32>
    %add3A_934 = arith.addi %add3A_922, %select_n3A_933 : vector<16xi32>
    %get3A_935 = arith.constant 1072 : index
    %get3A_936 = tpu.vector_load %arg5[%get3A_935] {strides = array<i32>} : memref<2048xi32, #tpu.memory_space<vmem>>, vector<16xi32>,
    %eq3A_937 = arith.constant 40477 : i32
    %eq3A_938 = vector.broadcast %eq3A_937 : i32 to vector<16xi32>
    %eq3A_939 = arith.cmpi eq, %get3A_936, %eq3A_938 : vector<16xi32>
    %add3A_940 = arith.constant 48 : i32
    %add3A_941 = vector.broadcast %add3A_940 : i32 to vector<16xi32>
    %add3A_942 = arith.addi %iota3A, %add3A_941 : vector<16xi32>
    %jit3A_943 = arith.constant 0 : i32
    %broadcast_in_dim3A_944 = vector.broadcast %jit3A_943 : i32 to vector<16xi32>
    %select_n3A_945 = arith.select %eq3A_939, %add3A_942, %broadcast_in_dim3A_944 : vector<16xi1>, vector<16xi32>
    %add3A_946 = arith.addi %add3A_934, %select_n3A_945 : vector<16xi32>
    %get3A_947 = arith.constant 1088 : index
    %get3A_948 = tpu.vector_load %arg5[%get3A_947] {strides = array<i32>} : memref<2048xi32, #tpu.memory_space<vmem>>, vector<16xi32>,
    %eq3A_949 = arith.constant 40477 : i32
    %eq3A_950 = vector.broadcast %eq3A_949 : i32 to vector<16xi32>
    %eq3A_951 = arith.cmpi eq, %get3A_948, %eq3A_950 : vector<16xi32>
    %add3A_952 = arith.constant 64 : i32
    %add3A_953 = vector.broadcast %add3A_952 : i32 to vector<16xi32>
    %add3A_954 = arith.addi %iota3A, %add3A_953 : vector<16xi32>
    %jit3A_955 = arith.constant 0 : i32
    %broadcast_in_dim3A_956 = vector.broadcast %jit3A_955 : i32 to vector<16xi32>
    %select_n3A_957 = arith.select %eq3A_951, %add3A_954, %broadcast_in_dim3A_956 : vector<16xi1>, vector<16xi32>
    %add3A_958 = arith.addi %add3A_946, %select_n3A_957 : vector<16xi32>
    %get3A_959 = arith.constant 1104 : index
    %get3A_960 = tpu.vector_load %arg5[%get3A_959] {strides = array<i32>} : memref<2048xi32, #tpu.memory_space<vmem>>, vector<16xi32>,
    %eq3A_961 = arith.constant 40477 : i32
    %eq3A_962 = vector.broadcast %eq3A_961 : i32 to vector<16xi32>
    %eq3A_963 = arith.cmpi eq, %get3A_960, %eq3A_962 : vector<16xi32>
    %add3A_964 = arith.constant 80 : i32
    %add3A_965 = vector.broadcast %add3A_964 : i32 to vector<16xi32>
    %add3A_966 = arith.addi %iota3A, %add3A_965 : vector<16xi32>
    %jit3A_967 = arith.constant 0 : i32
    %broadcast_in_dim3A_968 = vector.broadcast %jit3A_967 : i32 to vector<16xi32>
    %select_n3A_969 = arith.select %eq3A_963, %add3A_966, %broadcast_in_dim3A_968 : vector<16xi1>, vector<16xi32>
    %add3A_970 = arith.addi %add3A_958, %select_n3A_969 : vector<16xi32>
    %get3A_971 = arith.constant 1120 : index
    %get3A_972 = tpu.vector_load %arg5[%get3A_971] {strides = array<i32>} : memref<2048xi32, #tpu.memory_space<vmem>>, vector<16xi32>,
    %eq3A_973 = arith.constant 40477 : i32
    %eq3A_974 = vector.broadcast %eq3A_973 : i32 to vector<16xi32>
    %eq3A_975 = arith.cmpi eq, %get3A_972, %eq3A_974 : vector<16xi32>
    %add3A_976 = arith.constant 96 : i32
    %add3A_977 = vector.broadcast %add3A_976 : i32 to vector<16xi32>
    %add3A_978 = arith.addi %iota3A, %add3A_977 : vector<16xi32>
    %jit3A_979 = arith.constant 0 : i32
    %broadcast_in_dim3A_980 = vector.broadcast %jit3A_979 : i32 to vector<16xi32>
    %select_n3A_981 = arith.select %eq3A_975, %add3A_978, %broadcast_in_dim3A_980 : vector<16xi1>, vector<16xi32>
    %add3A_982 = arith.addi %add3A_970, %select_n3A_981 : vector<16xi32>
    %get3A_983 = arith.constant 1136 : index
    %get3A_984 = tpu.vector_load %arg5[%get3A_983] {strides = array<i32>} : memref<2048xi32, #tpu.memory_space<vmem>>, vector<16xi32>,
    %eq3A_985 = arith.constant 40477 : i32
    %eq3A_986 = vector.broadcast %eq3A_985 : i32 to vector<16xi32>
    %eq3A_987 = arith.cmpi eq, %get3A_984, %eq3A_986 : vector<16xi32>
    %add3A_988 = arith.constant 112 : i32
    %add3A_989 = vector.broadcast %add3A_988 : i32 to vector<16xi32>
    %add3A_990 = arith.addi %iota3A, %add3A_989 : vector<16xi32>
    %jit3A_991 = arith.constant 0 : i32
    %broadcast_in_dim3A_992 = vector.broadcast %jit3A_991 : i32 to vector<16xi32>
    %select_n3A_993 = arith.select %eq3A_987, %add3A_990, %broadcast_in_dim3A_992 : vector<16xi1>, vector<16xi32>
    %add3A_994 = arith.addi %add3A_982, %select_n3A_993 : vector<16xi32>
    %reduce_sum3A_995 = arith.constant true
    %reduce_sum3A_996 = vector.broadcast %reduce_sum3A_995 : i1 to vector<16xi1>
    %reduce_sum3A_997 = tpu.scan <sum>, %add3A_994 masked %reduce_sum3A_996 : vector<16xi32>, vector<16xi1> -> vector<16xi32>
    %reduce_sum3A_998 = vector.extract %reduce_sum3A_997[15] : i32 from vector<16xi32>
    %eq3A_999 = arith.constant 8 : i32
    %eq3A_1000 = vector.broadcast %eq3A_999 : i32 to vector<16xi32>
    %eq3A_1001 = arith.cmpi eq, %iota3A, %eq3A_1000 : vector<16xi32>
    %add3A_1002 = arith.constant 8 : i32
    %add3A_1003 = arith.addi %mul3A_2, %add3A_1002 : i32
    %mul3A_1004 = arith.constant 128 : i32
    %mul3A_1005 = arith.muli %add3A_1003, %mul3A_1004 : i32
    %add3A_1006 = arith.addi %mul3A_1005, %reduce_sum3A_998 : i32
    %broadcast_in_dim3A_1007 = vector.broadcast %add3A_1006 : i32 to vector<16xi32>
    %select_n3A_1008 = arith.select %eq3A_1001, %broadcast_in_dim3A_1007, %select_n3A_896 : vector<16xi1>, vector<16xi32>
    %broadcast_in_dim3A_1009 = arith.constant 0 : i32
    %broadcast_in_dim3A_1010 = vector.broadcast %broadcast_in_dim3A_1009 : i32 to vector<16xi32>
    %get3A_1011 = arith.constant 1152 : index
    %get3A_1012 = tpu.vector_load %arg5[%get3A_1011] {strides = array<i32>} : memref<2048xi32, #tpu.memory_space<vmem>>, vector<16xi32>,
    %eq3A_1013 = arith.constant 40477 : i32
    %eq3A_1014 = vector.broadcast %eq3A_1013 : i32 to vector<16xi32>
    %eq3A_1015 = arith.cmpi eq, %get3A_1012, %eq3A_1014 : vector<16xi32>
    %add3A_1016 = arith.constant 0 : i32
    %add3A_1017 = vector.broadcast %add3A_1016 : i32 to vector<16xi32>
    %add3A_1018 = arith.addi %iota3A, %add3A_1017 : vector<16xi32>
    %jit3A_1019 = arith.constant 0 : i32
    %broadcast_in_dim3A_1020 = vector.broadcast %jit3A_1019 : i32 to vector<16xi32>
    %select_n3A_1021 = arith.select %eq3A_1015, %add3A_1018, %broadcast_in_dim3A_1020 : vector<16xi1>, vector<16xi32>
    %add3A_1022 = arith.addi %broadcast_in_dim3A_1010, %select_n3A_1021 : vector<16xi32>
    %get3A_1023 = arith.constant 1168 : index
    %get3A_1024 = tpu.vector_load %arg5[%get3A_1023] {strides = array<i32>} : memref<2048xi32, #tpu.memory_space<vmem>>, vector<16xi32>,
    %eq3A_1025 = arith.constant 40477 : i32
    %eq3A_1026 = vector.broadcast %eq3A_1025 : i32 to vector<16xi32>
    %eq3A_1027 = arith.cmpi eq, %get3A_1024, %eq3A_1026 : vector<16xi32>
    %add3A_1028 = arith.constant 16 : i32
    %add3A_1029 = vector.broadcast %add3A_1028 : i32 to vector<16xi32>
    %add3A_1030 = arith.addi %iota3A, %add3A_1029 : vector<16xi32>
    %jit3A_1031 = arith.constant 0 : i32
    %broadcast_in_dim3A_1032 = vector.broadcast %jit3A_1031 : i32 to vector<16xi32>
    %select_n3A_1033 = arith.select %eq3A_1027, %add3A_1030, %broadcast_in_dim3A_1032 : vector<16xi1>, vector<16xi32>
    %add3A_1034 = arith.addi %add3A_1022, %select_n3A_1033 : vector<16xi32>
    %get3A_1035 = arith.constant 1184 : index
    %get3A_1036 = tpu.vector_load %arg5[%get3A_1035] {strides = array<i32>} : memref<2048xi32, #tpu.memory_space<vmem>>, vector<16xi32>,
    %eq3A_1037 = arith.constant 40477 : i32
    %eq3A_1038 = vector.broadcast %eq3A_1037 : i32 to vector<16xi32>
    %eq3A_1039 = arith.cmpi eq, %get3A_1036, %eq3A_1038 : vector<16xi32>
    %add3A_1040 = arith.constant 32 : i32
    %add3A_1041 = vector.broadcast %add3A_1040 : i32 to vector<16xi32>
    %add3A_1042 = arith.addi %iota3A, %add3A_1041 : vector<16xi32>
    %jit3A_1043 = arith.constant 0 : i32
    %broadcast_in_dim3A_1044 = vector.broadcast %jit3A_1043 : i32 to vector<16xi32>
    %select_n3A_1045 = arith.select %eq3A_1039, %add3A_1042, %broadcast_in_dim3A_1044 : vector<16xi1>, vector<16xi32>
    %add3A_1046 = arith.addi %add3A_1034, %select_n3A_1045 : vector<16xi32>
    %get3A_1047 = arith.constant 1200 : index
    %get3A_1048 = tpu.vector_load %arg5[%get3A_1047] {strides = array<i32>} : memref<2048xi32, #tpu.memory_space<vmem>>, vector<16xi32>,
    %eq3A_1049 = arith.constant 40477 : i32
    %eq3A_1050 = vector.broadcast %eq3A_1049 : i32 to vector<16xi32>
    %eq3A_1051 = arith.cmpi eq, %get3A_1048, %eq3A_1050 : vector<16xi32>
    %add3A_1052 = arith.constant 48 : i32
    %add3A_1053 = vector.broadcast %add3A_1052 : i32 to vector<16xi32>
    %add3A_1054 = arith.addi %iota3A, %add3A_1053 : vector<16xi32>
    %jit3A_1055 = arith.constant 0 : i32
    %broadcast_in_dim3A_1056 = vector.broadcast %jit3A_1055 : i32 to vector<16xi32>
    %select_n3A_1057 = arith.select %eq3A_1051, %add3A_1054, %broadcast_in_dim3A_1056 : vector<16xi1>, vector<16xi32>
    %add3A_1058 = arith.addi %add3A_1046, %select_n3A_1057 : vector<16xi32>
    %get3A_1059 = arith.constant 1216 : index
    %get3A_1060 = tpu.vector_load %arg5[%get3A_1059] {strides = array<i32>} : memref<2048xi32, #tpu.memory_space<vmem>>, vector<16xi32>,
    %eq3A_1061 = arith.constant 40477 : i32
    %eq3A_1062 = vector.broadcast %eq3A_1061 : i32 to vector<16xi32>
    %eq3A_1063 = arith.cmpi eq, %get3A_1060, %eq3A_1062 : vector<16xi32>
    %add3A_1064 = arith.constant 64 : i32
    %add3A_1065 = vector.broadcast %add3A_1064 : i32 to vector<16xi32>
    %add3A_1066 = arith.addi %iota3A, %add3A_1065 : vector<16xi32>
    %jit3A_1067 = arith.constant 0 : i32
    %broadcast_in_dim3A_1068 = vector.broadcast %jit3A_1067 : i32 to vector<16xi32>
    %select_n3A_1069 = arith.select %eq3A_1063, %add3A_1066, %broadcast_in_dim3A_1068 : vector<16xi1>, vector<16xi32>
    %add3A_1070 = arith.addi %add3A_1058, %select_n3A_1069 : vector<16xi32>
    %get3A_1071 = arith.constant 1232 : index
    %get3A_1072 = tpu.vector_load %arg5[%get3A_1071] {strides = array<i32>} : memref<2048xi32, #tpu.memory_space<vmem>>, vector<16xi32>,
    %eq3A_1073 = arith.constant 40477 : i32
    %eq3A_1074 = vector.broadcast %eq3A_1073 : i32 to vector<16xi32>
    %eq3A_1075 = arith.cmpi eq, %get3A_1072, %eq3A_1074 : vector<16xi32>
    %add3A_1076 = arith.constant 80 : i32
    %add3A_1077 = vector.broadcast %add3A_1076 : i32 to vector<16xi32>
    %add3A_1078 = arith.addi %iota3A, %add3A_1077 : vector<16xi32>
    %jit3A_1079 = arith.constant 0 : i32
    %broadcast_in_dim3A_1080 = vector.broadcast %jit3A_1079 : i32 to vector<16xi32>
    %select_n3A_1081 = arith.select %eq3A_1075, %add3A_1078, %broadcast_in_dim3A_1080 : vector<16xi1>, vector<16xi32>
    %add3A_1082 = arith.addi %add3A_1070, %select_n3A_1081 : vector<16xi32>
    %get3A_1083 = arith.constant 1248 : index
    %get3A_1084 = tpu.vector_load %arg5[%get3A_1083] {strides = array<i32>} : memref<2048xi32, #tpu.memory_space<vmem>>, vector<16xi32>,
    %eq3A_1085 = arith.constant 40477 : i32
    %eq3A_1086 = vector.broadcast %eq3A_1085 : i32 to vector<16xi32>
    %eq3A_1087 = arith.cmpi eq, %get3A_1084, %eq3A_1086 : vector<16xi32>
    %add3A_1088 = arith.constant 96 : i32
    %add3A_1089 = vector.broadcast %add3A_1088 : i32 to vector<16xi32>
    %add3A_1090 = arith.addi %iota3A, %add3A_1089 : vector<16xi32>
    %jit3A_1091 = arith.constant 0 : i32
    %broadcast_in_dim3A_1092 = vector.broadcast %jit3A_1091 : i32 to vector<16xi32>
    %select_n3A_1093 = arith.select %eq3A_1087, %add3A_1090, %broadcast_in_dim3A_1092 : vector<16xi1>, vector<16xi32>
    %add3A_1094 = arith.addi %add3A_1082, %select_n3A_1093 : vector<16xi32>
    %get3A_1095 = arith.constant 1264 : index
    %get3A_1096 = tpu.vector_load %arg5[%get3A_1095] {strides = array<i32>} : memref<2048xi32, #tpu.memory_space<vmem>>, vector<16xi32>,
    %eq3A_1097 = arith.constant 40477 : i32
    %eq3A_1098 = vector.broadcast %eq3A_1097 : i32 to vector<16xi32>
    %eq3A_1099 = arith.cmpi eq, %get3A_1096, %eq3A_1098 : vector<16xi32>
    %add3A_1100 = arith.constant 112 : i32
    %add3A_1101 = vector.broadcast %add3A_1100 : i32 to vector<16xi32>
    %add3A_1102 = arith.addi %iota3A, %add3A_1101 : vector<16xi32>
    %jit3A_1103 = arith.constant 0 : i32
    %broadcast_in_dim3A_1104 = vector.broadcast %jit3A_1103 : i32 to vector<16xi32>
    %select_n3A_1105 = arith.select %eq3A_1099, %add3A_1102, %broadcast_in_dim3A_1104 : vector<16xi1>, vector<16xi32>
    %add3A_1106 = arith.addi %add3A_1094, %select_n3A_1105 : vector<16xi32>
    %reduce_sum3A_1107 = arith.constant true
    %reduce_sum3A_1108 = vector.broadcast %reduce_sum3A_1107 : i1 to vector<16xi1>
    %reduce_sum3A_1109 = tpu.scan <sum>, %add3A_1106 masked %reduce_sum3A_1108 : vector<16xi32>, vector<16xi1> -> vector<16xi32>
    %reduce_sum3A_1110 = vector.extract %reduce_sum3A_1109[15] : i32 from vector<16xi32>
    %eq3A_1111 = arith.constant 9 : i32
    %eq3A_1112 = vector.broadcast %eq3A_1111 : i32 to vector<16xi32>
    %eq3A_1113 = arith.cmpi eq, %iota3A, %eq3A_1112 : vector<16xi32>
    %add3A_1114 = arith.constant 9 : i32
    %add3A_1115 = arith.addi %mul3A_2, %add3A_1114 : i32
    %mul3A_1116 = arith.constant 128 : i32
    %mul3A_1117 = arith.muli %add3A_1115, %mul3A_1116 : i32
    %add3A_1118 = arith.addi %mul3A_1117, %reduce_sum3A_1110 : i32
    %broadcast_in_dim3A_1119 = vector.broadcast %add3A_1118 : i32 to vector<16xi32>
    %select_n3A_1120 = arith.select %eq3A_1113, %broadcast_in_dim3A_1119, %select_n3A_1008 : vector<16xi1>, vector<16xi32>
    %broadcast_in_dim3A_1121 = arith.constant 0 : i32
    %broadcast_in_dim3A_1122 = vector.broadcast %broadcast_in_dim3A_1121 : i32 to vector<16xi32>
    %get3A_1123 = arith.constant 1280 : index
    %get3A_1124 = tpu.vector_load %arg5[%get3A_1123] {strides = array<i32>} : memref<2048xi32, #tpu.memory_space<vmem>>, vector<16xi32>,
    %eq3A_1125 = arith.constant 40477 : i32
    %eq3A_1126 = vector.broadcast %eq3A_1125 : i32 to vector<16xi32>
    %eq3A_1127 = arith.cmpi eq, %get3A_1124, %eq3A_1126 : vector<16xi32>
    %add3A_1128 = arith.constant 0 : i32
    %add3A_1129 = vector.broadcast %add3A_1128 : i32 to vector<16xi32>
    %add3A_1130 = arith.addi %iota3A, %add3A_1129 : vector<16xi32>
    %jit3A_1131 = arith.constant 0 : i32
    %broadcast_in_dim3A_1132 = vector.broadcast %jit3A_1131 : i32 to vector<16xi32>
    %select_n3A_1133 = arith.select %eq3A_1127, %add3A_1130, %broadcast_in_dim3A_1132 : vector<16xi1>, vector<16xi32>
    %add3A_1134 = arith.addi %broadcast_in_dim3A_1122, %select_n3A_1133 : vector<16xi32>
    %get3A_1135 = arith.constant 1296 : index
    %get3A_1136 = tpu.vector_load %arg5[%get3A_1135] {strides = array<i32>} : memref<2048xi32, #tpu.memory_space<vmem>>, vector<16xi32>,
    %eq3A_1137 = arith.constant 40477 : i32
    %eq3A_1138 = vector.broadcast %eq3A_1137 : i32 to vector<16xi32>
    %eq3A_1139 = arith.cmpi eq, %get3A_1136, %eq3A_1138 : vector<16xi32>
    %add3A_1140 = arith.constant 16 : i32
    %add3A_1141 = vector.broadcast %add3A_1140 : i32 to vector<16xi32>
    %add3A_1142 = arith.addi %iota3A, %add3A_1141 : vector<16xi32>
    %jit3A_1143 = arith.constant 0 : i32
    %broadcast_in_dim3A_1144 = vector.broadcast %jit3A_1143 : i32 to vector<16xi32>
    %select_n3A_1145 = arith.select %eq3A_1139, %add3A_1142, %broadcast_in_dim3A_1144 : vector<16xi1>, vector<16xi32>
    %add3A_1146 = arith.addi %add3A_1134, %select_n3A_1145 : vector<16xi32>
    %get3A_1147 = arith.constant 1312 : index
    %get3A_1148 = tpu.vector_load %arg5[%get3A_1147] {strides = array<i32>} : memref<2048xi32, #tpu.memory_space<vmem>>, vector<16xi32>,
    %eq3A_1149 = arith.constant 40477 : i32
    %eq3A_1150 = vector.broadcast %eq3A_1149 : i32 to vector<16xi32>
    %eq3A_1151 = arith.cmpi eq, %get3A_1148, %eq3A_1150 : vector<16xi32>
    %add3A_1152 = arith.constant 32 : i32
    %add3A_1153 = vector.broadcast %add3A_1152 : i32 to vector<16xi32>
    %add3A_1154 = arith.addi %iota3A, %add3A_1153 : vector<16xi32>
    %jit3A_1155 = arith.constant 0 : i32
    %broadcast_in_dim3A_1156 = vector.broadcast %jit3A_1155 : i32 to vector<16xi32>
    %select_n3A_1157 = arith.select %eq3A_1151, %add3A_1154, %broadcast_in_dim3A_1156 : vector<16xi1>, vector<16xi32>
    %add3A_1158 = arith.addi %add3A_1146, %select_n3A_1157 : vector<16xi32>
    %get3A_1159 = arith.constant 1328 : index
    %get3A_1160 = tpu.vector_load %arg5[%get3A_1159] {strides = array<i32>} : memref<2048xi32, #tpu.memory_space<vmem>>, vector<16xi32>,
    %eq3A_1161 = arith.constant 40477 : i32
    %eq3A_1162 = vector.broadcast %eq3A_1161 : i32 to vector<16xi32>
    %eq3A_1163 = arith.cmpi eq, %get3A_1160, %eq3A_1162 : vector<16xi32>
    %add3A_1164 = arith.constant 48 : i32
    %add3A_1165 = vector.broadcast %add3A_1164 : i32 to vector<16xi32>
    %add3A_1166 = arith.addi %iota3A, %add3A_1165 : vector<16xi32>
    %jit3A_1167 = arith.constant 0 : i32
    %broadcast_in_dim3A_1168 = vector.broadcast %jit3A_1167 : i32 to vector<16xi32>
    %select_n3A_1169 = arith.select %eq3A_1163, %add3A_1166, %broadcast_in_dim3A_1168 : vector<16xi1>, vector<16xi32>
    %add3A_1170 = arith.addi %add3A_1158, %select_n3A_1169 : vector<16xi32>
    %get3A_1171 = arith.constant 1344 : index
    %get3A_1172 = tpu.vector_load %arg5[%get3A_1171] {strides = array<i32>} : memref<2048xi32, #tpu.memory_space<vmem>>, vector<16xi32>,
    %eq3A_1173 = arith.constant 40477 : i32
    %eq3A_1174 = vector.broadcast %eq3A_1173 : i32 to vector<16xi32>
    %eq3A_1175 = arith.cmpi eq, %get3A_1172, %eq3A_1174 : vector<16xi32>
    %add3A_1176 = arith.constant 64 : i32
    %add3A_1177 = vector.broadcast %add3A_1176 : i32 to vector<16xi32>
    %add3A_1178 = arith.addi %iota3A, %add3A_1177 : vector<16xi32>
    %jit3A_1179 = arith.constant 0 : i32
    %broadcast_in_dim3A_1180 = vector.broadcast %jit3A_1179 : i32 to vector<16xi32>
    %select_n3A_1181 = arith.select %eq3A_1175, %add3A_1178, %broadcast_in_dim3A_1180 : vector<16xi1>, vector<16xi32>
    %add3A_1182 = arith.addi %add3A_1170, %select_n3A_1181 : vector<16xi32>
    %get3A_1183 = arith.constant 1360 : index
    %get3A_1184 = tpu.vector_load %arg5[%get3A_1183] {strides = array<i32>} : memref<2048xi32, #tpu.memory_space<vmem>>, vector<16xi32>,
    %eq3A_1185 = arith.constant 40477 : i32
    %eq3A_1186 = vector.broadcast %eq3A_1185 : i32 to vector<16xi32>
    %eq3A_1187 = arith.cmpi eq, %get3A_1184, %eq3A_1186 : vector<16xi32>
    %add3A_1188 = arith.constant 80 : i32
    %add3A_1189 = vector.broadcast %add3A_1188 : i32 to vector<16xi32>
    %add3A_1190 = arith.addi %iota3A, %add3A_1189 : vector<16xi32>
    %jit3A_1191 = arith.constant 0 : i32
    %broadcast_in_dim3A_1192 = vector.broadcast %jit3A_1191 : i32 to vector<16xi32>
    %select_n3A_1193 = arith.select %eq3A_1187, %add3A_1190, %broadcast_in_dim3A_1192 : vector<16xi1>, vector<16xi32>
    %add3A_1194 = arith.addi %add3A_1182, %select_n3A_1193 : vector<16xi32>
    %get3A_1195 = arith.constant 1376 : index
    %get3A_1196 = tpu.vector_load %arg5[%get3A_1195] {strides = array<i32>} : memref<2048xi32, #tpu.memory_space<vmem>>, vector<16xi32>,
    %eq3A_1197 = arith.constant 40477 : i32
    %eq3A_1198 = vector.broadcast %eq3A_1197 : i32 to vector<16xi32>
    %eq3A_1199 = arith.cmpi eq, %get3A_1196, %eq3A_1198 : vector<16xi32>
    %add3A_1200 = arith.constant 96 : i32
    %add3A_1201 = vector.broadcast %add3A_1200 : i32 to vector<16xi32>
    %add3A_1202 = arith.addi %iota3A, %add3A_1201 : vector<16xi32>
    %jit3A_1203 = arith.constant 0 : i32
    %broadcast_in_dim3A_1204 = vector.broadcast %jit3A_1203 : i32 to vector<16xi32>
    %select_n3A_1205 = arith.select %eq3A_1199, %add3A_1202, %broadcast_in_dim3A_1204 : vector<16xi1>, vector<16xi32>
    %add3A_1206 = arith.addi %add3A_1194, %select_n3A_1205 : vector<16xi32>
    %get3A_1207 = arith.constant 1392 : index
    %get3A_1208 = tpu.vector_load %arg5[%get3A_1207] {strides = array<i32>} : memref<2048xi32, #tpu.memory_space<vmem>>, vector<16xi32>,
    %eq3A_1209 = arith.constant 40477 : i32
    %eq3A_1210 = vector.broadcast %eq3A_1209 : i32 to vector<16xi32>
    %eq3A_1211 = arith.cmpi eq, %get3A_1208, %eq3A_1210 : vector<16xi32>
    %add3A_1212 = arith.constant 112 : i32
    %add3A_1213 = vector.broadcast %add3A_1212 : i32 to vector<16xi32>
    %add3A_1214 = arith.addi %iota3A, %add3A_1213 : vector<16xi32>
    %jit3A_1215 = arith.constant 0 : i32
    %broadcast_in_dim3A_1216 = vector.broadcast %jit3A_1215 : i32 to vector<16xi32>
    %select_n3A_1217 = arith.select %eq3A_1211, %add3A_1214, %broadcast_in_dim3A_1216 : vector<16xi1>, vector<16xi32>
    %add3A_1218 = arith.addi %add3A_1206, %select_n3A_1217 : vector<16xi32>
    %reduce_sum3A_1219 = arith.constant true
    %reduce_sum3A_1220 = vector.broadcast %reduce_sum3A_1219 : i1 to vector<16xi1>
    %reduce_sum3A_1221 = tpu.scan <sum>, %add3A_1218 masked %reduce_sum3A_1220 : vector<16xi32>, vector<16xi1> -> vector<16xi32>
    %reduce_sum3A_1222 = vector.extract %reduce_sum3A_1221[15] : i32 from vector<16xi32>
    %eq3A_1223 = arith.constant 10 : i32
    %eq3A_1224 = vector.broadcast %eq3A_1223 : i32 to vector<16xi32>
    %eq3A_1225 = arith.cmpi eq, %iota3A, %eq3A_1224 : vector<16xi32>
    %add3A_1226 = arith.constant 10 : i32
    %add3A_1227 = arith.addi %mul3A_2, %add3A_1226 : i32
    %mul3A_1228 = arith.constant 128 : i32
    %mul3A_1229 = arith.muli %add3A_1227, %mul3A_1228 : i32
    %add3A_1230 = arith.addi %mul3A_1229, %reduce_sum3A_1222 : i32
    %broadcast_in_dim3A_1231 = vector.broadcast %add3A_1230 : i32 to vector<16xi32>
    %select_n3A_1232 = arith.select %eq3A_1225, %broadcast_in_dim3A_1231, %select_n3A_1120 : vector<16xi1>, vector<16xi32>
    %broadcast_in_dim3A_1233 = arith.constant 0 : i32
    %broadcast_in_dim3A_1234 = vector.broadcast %broadcast_in_dim3A_1233 : i32 to vector<16xi32>
    %get3A_1235 = arith.constant 1408 : index
    %get3A_1236 = tpu.vector_load %arg5[%get3A_1235] {strides = array<i32>} : memref<2048xi32, #tpu.memory_space<vmem>>, vector<16xi32>,
    %eq3A_1237 = arith.constant 40477 : i32
    %eq3A_1238 = vector.broadcast %eq3A_1237 : i32 to vector<16xi32>
    %eq3A_1239 = arith.cmpi eq, %get3A_1236, %eq3A_1238 : vector<16xi32>
    %add3A_1240 = arith.constant 0 : i32
    %add3A_1241 = vector.broadcast %add3A_1240 : i32 to vector<16xi32>
    %add3A_1242 = arith.addi %iota3A, %add3A_1241 : vector<16xi32>
    %jit3A_1243 = arith.constant 0 : i32
    %broadcast_in_dim3A_1244 = vector.broadcast %jit3A_1243 : i32 to vector<16xi32>
    %select_n3A_1245 = arith.select %eq3A_1239, %add3A_1242, %broadcast_in_dim3A_1244 : vector<16xi1>, vector<16xi32>
    %add3A_1246 = arith.addi %broadcast_in_dim3A_1234, %select_n3A_1245 : vector<16xi32>
    %get3A_1247 = arith.constant 1424 : index
    %get3A_1248 = tpu.vector_load %arg5[%get3A_1247] {strides = array<i32>} : memref<2048xi32, #tpu.memory_space<vmem>>, vector<16xi32>,
    %eq3A_1249 = arith.constant 40477 : i32
    %eq3A_1250 = vector.broadcast %eq3A_1249 : i32 to vector<16xi32>
    %eq3A_1251 = arith.cmpi eq, %get3A_1248, %eq3A_1250 : vector<16xi32>
    %add3A_1252 = arith.constant 16 : i32
    %add3A_1253 = vector.broadcast %add3A_1252 : i32 to vector<16xi32>
    %add3A_1254 = arith.addi %iota3A, %add3A_1253 : vector<16xi32>
    %jit3A_1255 = arith.constant 0 : i32
    %broadcast_in_dim3A_1256 = vector.broadcast %jit3A_1255 : i32 to vector<16xi32>
    %select_n3A_1257 = arith.select %eq3A_1251, %add3A_1254, %broadcast_in_dim3A_1256 : vector<16xi1>, vector<16xi32>
    %add3A_1258 = arith.addi %add3A_1246, %select_n3A_1257 : vector<16xi32>
    %get3A_1259 = arith.constant 1440 : index
    %get3A_1260 = tpu.vector_load %arg5[%get3A_1259] {strides = array<i32>} : memref<2048xi32, #tpu.memory_space<vmem>>, vector<16xi32>,
    %eq3A_1261 = arith.constant 40477 : i32
    %eq3A_1262 = vector.broadcast %eq3A_1261 : i32 to vector<16xi32>
    %eq3A_1263 = arith.cmpi eq, %get3A_1260, %eq3A_1262 : vector<16xi32>
    %add3A_1264 = arith.constant 32 : i32
    %add3A_1265 = vector.broadcast %add3A_1264 : i32 to vector<16xi32>
    %add3A_1266 = arith.addi %iota3A, %add3A_1265 : vector<16xi32>
    %jit3A_1267 = arith.constant 0 : i32
    %broadcast_in_dim3A_1268 = vector.broadcast %jit3A_1267 : i32 to vector<16xi32>
    %select_n3A_1269 = arith.select %eq3A_1263, %add3A_1266, %broadcast_in_dim3A_1268 : vector<16xi1>, vector<16xi32>
    %add3A_1270 = arith.addi %add3A_1258, %select_n3A_1269 : vector<16xi32>
    %get3A_1271 = arith.constant 1456 : index
    %get3A_1272 = tpu.vector_load %arg5[%get3A_1271] {strides = array<i32>} : memref<2048xi32, #tpu.memory_space<vmem>>, vector<16xi32>,
    %eq3A_1273 = arith.constant 40477 : i32
    %eq3A_1274 = vector.broadcast %eq3A_1273 : i32 to vector<16xi32>
    %eq3A_1275 = arith.cmpi eq, %get3A_1272, %eq3A_1274 : vector<16xi32>
    %add3A_1276 = arith.constant 48 : i32
    %add3A_1277 = vector.broadcast %add3A_1276 : i32 to vector<16xi32>
    %add3A_1278 = arith.addi %iota3A, %add3A_1277 : vector<16xi32>
    %jit3A_1279 = arith.constant 0 : i32
    %broadcast_in_dim3A_1280 = vector.broadcast %jit3A_1279 : i32 to vector<16xi32>
    %select_n3A_1281 = arith.select %eq3A_1275, %add3A_1278, %broadcast_in_dim3A_1280 : vector<16xi1>, vector<16xi32>
    %add3A_1282 = arith.addi %add3A_1270, %select_n3A_1281 : vector<16xi32>
    %get3A_1283 = arith.constant 1472 : index
    %get3A_1284 = tpu.vector_load %arg5[%get3A_1283] {strides = array<i32>} : memref<2048xi32, #tpu.memory_space<vmem>>, vector<16xi32>,
    %eq3A_1285 = arith.constant 40477 : i32
    %eq3A_1286 = vector.broadcast %eq3A_1285 : i32 to vector<16xi32>
    %eq3A_1287 = arith.cmpi eq, %get3A_1284, %eq3A_1286 : vector<16xi32>
    %add3A_1288 = arith.constant 64 : i32
    %add3A_1289 = vector.broadcast %add3A_1288 : i32 to vector<16xi32>
    %add3A_1290 = arith.addi %iota3A, %add3A_1289 : vector<16xi32>
    %jit3A_1291 = arith.constant 0 : i32
    %broadcast_in_dim3A_1292 = vector.broadcast %jit3A_1291 : i32 to vector<16xi32>
    %select_n3A_1293 = arith.select %eq3A_1287, %add3A_1290, %broadcast_in_dim3A_1292 : vector<16xi1>, vector<16xi32>
    %add3A_1294 = arith.addi %add3A_1282, %select_n3A_1293 : vector<16xi32>
    %get3A_1295 = arith.constant 1488 : index
    %get3A_1296 = tpu.vector_load %arg5[%get3A_1295] {strides = array<i32>} : memref<2048xi32, #tpu.memory_space<vmem>>, vector<16xi32>,
    %eq3A_1297 = arith.constant 40477 : i32
    %eq3A_1298 = vector.broadcast %eq3A_1297 : i32 to vector<16xi32>
    %eq3A_1299 = arith.cmpi eq, %get3A_1296, %eq3A_1298 : vector<16xi32>
    %add3A_1300 = arith.constant 80 : i32
    %add3A_1301 = vector.broadcast %add3A_1300 : i32 to vector<16xi32>
    %add3A_1302 = arith.addi %iota3A, %add3A_1301 : vector<16xi32>
    %jit3A_1303 = arith.constant 0 : i32
    %broadcast_in_dim3A_1304 = vector.broadcast %jit3A_1303 : i32 to vector<16xi32>
    %select_n3A_1305 = arith.select %eq3A_1299, %add3A_1302, %broadcast_in_dim3A_1304 : vector<16xi1>, vector<16xi32>
    %add3A_1306 = arith.addi %add3A_1294, %select_n3A_1305 : vector<16xi32>
    %get3A_1307 = arith.constant 1504 : index
    %get3A_1308 = tpu.vector_load %arg5[%get3A_1307] {strides = array<i32>} : memref<2048xi32, #tpu.memory_space<vmem>>, vector<16xi32>,
    %eq3A_1309 = arith.constant 40477 : i32
    %eq3A_1310 = vector.broadcast %eq3A_1309 : i32 to vector<16xi32>
    %eq3A_1311 = arith.cmpi eq, %get3A_1308, %eq3A_1310 : vector<16xi32>
    %add3A_1312 = arith.constant 96 : i32
    %add3A_1313 = vector.broadcast %add3A_1312 : i32 to vector<16xi32>
    %add3A_1314 = arith.addi %iota3A, %add3A_1313 : vector<16xi32>
    %jit3A_1315 = arith.constant 0 : i32
    %broadcast_in_dim3A_1316 = vector.broadcast %jit3A_1315 : i32 to vector<16xi32>
    %select_n3A_1317 = arith.select %eq3A_1311, %add3A_1314, %broadcast_in_dim3A_1316 : vector<16xi1>, vector<16xi32>
    %add3A_1318 = arith.addi %add3A_1306, %select_n3A_1317 : vector<16xi32>
    %get3A_1319 = arith.constant 1520 : index
    %get3A_1320 = tpu.vector_load %arg5[%get3A_1319] {strides = array<i32>} : memref<2048xi32, #tpu.memory_space<vmem>>, vector<16xi32>,
    %eq3A_1321 = arith.constant 40477 : i32
    %eq3A_1322 = vector.broadcast %eq3A_1321 : i32 to vector<16xi32>
    %eq3A_1323 = arith.cmpi eq, %get3A_1320, %eq3A_1322 : vector<16xi32>
    %add3A_1324 = arith.constant 112 : i32
    %add3A_1325 = vector.broadcast %add3A_1324 : i32 to vector<16xi32>
    %add3A_1326 = arith.addi %iota3A, %add3A_1325 : vector<16xi32>
    %jit3A_1327 = arith.constant 0 : i32
    %broadcast_in_dim3A_1328 = vector.broadcast %jit3A_1327 : i32 to vector<16xi32>
    %select_n3A_1329 = arith.select %eq3A_1323, %add3A_1326, %broadcast_in_dim3A_1328 : vector<16xi1>, vector<16xi32>
    %add3A_1330 = arith.addi %add3A_1318, %select_n3A_1329 : vector<16xi32>
    %reduce_sum3A_1331 = arith.constant true
    %reduce_sum3A_1332 = vector.broadcast %reduce_sum3A_1331 : i1 to vector<16xi1>
    %reduce_sum3A_1333 = tpu.scan <sum>, %add3A_1330 masked %reduce_sum3A_1332 : vector<16xi32>, vector<16xi1> -> vector<16xi32>
    %reduce_sum3A_1334 = vector.extract %reduce_sum3A_1333[15] : i32 from vector<16xi32>
    %eq3A_1335 = arith.constant 11 : i32
    %eq3A_1336 = vector.broadcast %eq3A_1335 : i32 to vector<16xi32>
    %eq3A_1337 = arith.cmpi eq, %iota3A, %eq3A_1336 : vector<16xi32>
    %add3A_1338 = arith.constant 11 : i32
    %add3A_1339 = arith.addi %mul3A_2, %add3A_1338 : i32
    %mul3A_1340 = arith.constant 128 : i32
    %mul3A_1341 = arith.muli %add3A_1339, %mul3A_1340 : i32
    %add3A_1342 = arith.addi %mul3A_1341, %reduce_sum3A_1334 : i32
    %broadcast_in_dim3A_1343 = vector.broadcast %add3A_1342 : i32 to vector<16xi32>
    %select_n3A_1344 = arith.select %eq3A_1337, %broadcast_in_dim3A_1343, %select_n3A_1232 : vector<16xi1>, vector<16xi32>
    %broadcast_in_dim3A_1345 = arith.constant 0 : i32
    %broadcast_in_dim3A_1346 = vector.broadcast %broadcast_in_dim3A_1345 : i32 to vector<16xi32>
    %get3A_1347 = arith.constant 1536 : index
    %get3A_1348 = tpu.vector_load %arg5[%get3A_1347] {strides = array<i32>} : memref<2048xi32, #tpu.memory_space<vmem>>, vector<16xi32>,
    %eq3A_1349 = arith.constant 40477 : i32
    %eq3A_1350 = vector.broadcast %eq3A_1349 : i32 to vector<16xi32>
    %eq3A_1351 = arith.cmpi eq, %get3A_1348, %eq3A_1350 : vector<16xi32>
    %add3A_1352 = arith.constant 0 : i32
    %add3A_1353 = vector.broadcast %add3A_1352 : i32 to vector<16xi32>
    %add3A_1354 = arith.addi %iota3A, %add3A_1353 : vector<16xi32>
    %jit3A_1355 = arith.constant 0 : i32
    %broadcast_in_dim3A_1356 = vector.broadcast %jit3A_1355 : i32 to vector<16xi32>
    %select_n3A_1357 = arith.select %eq3A_1351, %add3A_1354, %broadcast_in_dim3A_1356 : vector<16xi1>, vector<16xi32>
    %add3A_1358 = arith.addi %broadcast_in_dim3A_1346, %select_n3A_1357 : vector<16xi32>
    %get3A_1359 = arith.constant 1552 : index
    %get3A_1360 = tpu.vector_load %arg5[%get3A_1359] {strides = array<i32>} : memref<2048xi32, #tpu.memory_space<vmem>>, vector<16xi32>,
    %eq3A_1361 = arith.constant 40477 : i32
    %eq3A_1362 = vector.broadcast %eq3A_1361 : i32 to vector<16xi32>
    %eq3A_1363 = arith.cmpi eq, %get3A_1360, %eq3A_1362 : vector<16xi32>
    %add3A_1364 = arith.constant 16 : i32
    %add3A_1365 = vector.broadcast %add3A_1364 : i32 to vector<16xi32>
    %add3A_1366 = arith.addi %iota3A, %add3A_1365 : vector<16xi32>
    %jit3A_1367 = arith.constant 0 : i32
    %broadcast_in_dim3A_1368 = vector.broadcast %jit3A_1367 : i32 to vector<16xi32>
    %select_n3A_1369 = arith.select %eq3A_1363, %add3A_1366, %broadcast_in_dim3A_1368 : vector<16xi1>, vector<16xi32>
    %add3A_1370 = arith.addi %add3A_1358, %select_n3A_1369 : vector<16xi32>
    %get3A_1371 = arith.constant 1568 : index
    %get3A_1372 = tpu.vector_load %arg5[%get3A_1371] {strides = array<i32>} : memref<2048xi32, #tpu.memory_space<vmem>>, vector<16xi32>,
    %eq3A_1373 = arith.constant 40477 : i32
    %eq3A_1374 = vector.broadcast %eq3A_1373 : i32 to vector<16xi32>
    %eq3A_1375 = arith.cmpi eq, %get3A_1372, %eq3A_1374 : vector<16xi32>
    %add3A_1376 = arith.constant 32 : i32
    %add3A_1377 = vector.broadcast %add3A_1376 : i32 to vector<16xi32>
    %add3A_1378 = arith.addi %iota3A, %add3A_1377 : vector<16xi32>
    %jit3A_1379 = arith.constant 0 : i32
    %broadcast_in_dim3A_1380 = vector.broadcast %jit3A_1379 : i32 to vector<16xi32>
    %select_n3A_1381 = arith.select %eq3A_1375, %add3A_1378, %broadcast_in_dim3A_1380 : vector<16xi1>, vector<16xi32>
    %add3A_1382 = arith.addi %add3A_1370, %select_n3A_1381 : vector<16xi32>
    %get3A_1383 = arith.constant 1584 : index
    %get3A_1384 = tpu.vector_load %arg5[%get3A_1383] {strides = array<i32>} : memref<2048xi32, #tpu.memory_space<vmem>>, vector<16xi32>,
    %eq3A_1385 = arith.constant 40477 : i32
    %eq3A_1386 = vector.broadcast %eq3A_1385 : i32 to vector<16xi32>
    %eq3A_1387 = arith.cmpi eq, %get3A_1384, %eq3A_1386 : vector<16xi32>
    %add3A_1388 = arith.constant 48 : i32
    %add3A_1389 = vector.broadcast %add3A_1388 : i32 to vector<16xi32>
    %add3A_1390 = arith.addi %iota3A, %add3A_1389 : vector<16xi32>
    %jit3A_1391 = arith.constant 0 : i32
    %broadcast_in_dim3A_1392 = vector.broadcast %jit3A_1391 : i32 to vector<16xi32>
    %select_n3A_1393 = arith.select %eq3A_1387, %add3A_1390, %broadcast_in_dim3A_1392 : vector<16xi1>, vector<16xi32>
    %add3A_1394 = arith.addi %add3A_1382, %select_n3A_1393 : vector<16xi32>
    %get3A_1395 = arith.constant 1600 : index
    %get3A_1396 = tpu.vector_load %arg5[%get3A_1395] {strides = array<i32>} : memref<2048xi32, #tpu.memory_space<vmem>>, vector<16xi32>,
    %eq3A_1397 = arith.constant 40477 : i32
    %eq3A_1398 = vector.broadcast %eq3A_1397 : i32 to vector<16xi32>
    %eq3A_1399 = arith.cmpi eq, %get3A_1396, %eq3A_1398 : vector<16xi32>
    %add3A_1400 = arith.constant 64 : i32
    %add3A_1401 = vector.broadcast %add3A_1400 : i32 to vector<16xi32>
    %add3A_1402 = arith.addi %iota3A, %add3A_1401 : vector<16xi32>
    %jit3A_1403 = arith.constant 0 : i32
    %broadcast_in_dim3A_1404 = vector.broadcast %jit3A_1403 : i32 to vector<16xi32>
    %select_n3A_1405 = arith.select %eq3A_1399, %add3A_1402, %broadcast_in_dim3A_1404 : vector<16xi1>, vector<16xi32>
    %add3A_1406 = arith.addi %add3A_1394, %select_n3A_1405 : vector<16xi32>
    %get3A_1407 = arith.constant 1616 : index
    %get3A_1408 = tpu.vector_load %arg5[%get3A_1407] {strides = array<i32>} : memref<2048xi32, #tpu.memory_space<vmem>>, vector<16xi32>,
    %eq3A_1409 = arith.constant 40477 : i32
    %eq3A_1410 = vector.broadcast %eq3A_1409 : i32 to vector<16xi32>
    %eq3A_1411 = arith.cmpi eq, %get3A_1408, %eq3A_1410 : vector<16xi32>
    %add3A_1412 = arith.constant 80 : i32
    %add3A_1413 = vector.broadcast %add3A_1412 : i32 to vector<16xi32>
    %add3A_1414 = arith.addi %iota3A, %add3A_1413 : vector<16xi32>
    %jit3A_1415 = arith.constant 0 : i32
    %broadcast_in_dim3A_1416 = vector.broadcast %jit3A_1415 : i32 to vector<16xi32>
    %select_n3A_1417 = arith.select %eq3A_1411, %add3A_1414, %broadcast_in_dim3A_1416 : vector<16xi1>, vector<16xi32>
    %add3A_1418 = arith.addi %add3A_1406, %select_n3A_1417 : vector<16xi32>
    %get3A_1419 = arith.constant 1632 : index
    %get3A_1420 = tpu.vector_load %arg5[%get3A_1419] {strides = array<i32>} : memref<2048xi32, #tpu.memory_space<vmem>>, vector<16xi32>,
    %eq3A_1421 = arith.constant 40477 : i32
    %eq3A_1422 = vector.broadcast %eq3A_1421 : i32 to vector<16xi32>
    %eq3A_1423 = arith.cmpi eq, %get3A_1420, %eq3A_1422 : vector<16xi32>
    %add3A_1424 = arith.constant 96 : i32
    %add3A_1425 = vector.broadcast %add3A_1424 : i32 to vector<16xi32>
    %add3A_1426 = arith.addi %iota3A, %add3A_1425 : vector<16xi32>
    %jit3A_1427 = arith.constant 0 : i32
    %broadcast_in_dim3A_1428 = vector.broadcast %jit3A_1427 : i32 to vector<16xi32>
    %select_n3A_1429 = arith.select %eq3A_1423, %add3A_1426, %broadcast_in_dim3A_1428 : vector<16xi1>, vector<16xi32>
    %add3A_1430 = arith.addi %add3A_1418, %select_n3A_1429 : vector<16xi32>
    %get3A_1431 = arith.constant 1648 : index
    %get3A_1432 = tpu.vector_load %arg5[%get3A_1431] {strides = array<i32>} : memref<2048xi32, #tpu.memory_space<vmem>>, vector<16xi32>,
    %eq3A_1433 = arith.constant 40477 : i32
    %eq3A_1434 = vector.broadcast %eq3A_1433 : i32 to vector<16xi32>
    %eq3A_1435 = arith.cmpi eq, %get3A_1432, %eq3A_1434 : vector<16xi32>
    %add3A_1436 = arith.constant 112 : i32
    %add3A_1437 = vector.broadcast %add3A_1436 : i32 to vector<16xi32>
    %add3A_1438 = arith.addi %iota3A, %add3A_1437 : vector<16xi32>
    %jit3A_1439 = arith.constant 0 : i32
    %broadcast_in_dim3A_1440 = vector.broadcast %jit3A_1439 : i32 to vector<16xi32>
    %select_n3A_1441 = arith.select %eq3A_1435, %add3A_1438, %broadcast_in_dim3A_1440 : vector<16xi1>, vector<16xi32>
    %add3A_1442 = arith.addi %add3A_1430, %select_n3A_1441 : vector<16xi32>
    %reduce_sum3A_1443 = arith.constant true
    %reduce_sum3A_1444 = vector.broadcast %reduce_sum3A_1443 : i1 to vector<16xi1>
    %reduce_sum3A_1445 = tpu.scan <sum>, %add3A_1442 masked %reduce_sum3A_1444 : vector<16xi32>, vector<16xi1> -> vector<16xi32>
    %reduce_sum3A_1446 = vector.extract %reduce_sum3A_1445[15] : i32 from vector<16xi32>
    %eq3A_1447 = arith.constant 12 : i32
    %eq3A_1448 = vector.broadcast %eq3A_1447 : i32 to vector<16xi32>
    %eq3A_1449 = arith.cmpi eq, %iota3A, %eq3A_1448 : vector<16xi32>
    %add3A_1450 = arith.constant 12 : i32
    %add3A_1451 = arith.addi %mul3A_2, %add3A_1450 : i32
    %mul3A_1452 = arith.constant 128 : i32
    %mul3A_1453 = arith.muli %add3A_1451, %mul3A_1452 : i32
    %add3A_1454 = arith.addi %mul3A_1453, %reduce_sum3A_1446 : i32
    %broadcast_in_dim3A_1455 = vector.broadcast %add3A_1454 : i32 to vector<16xi32>
    %select_n3A_1456 = arith.select %eq3A_1449, %broadcast_in_dim3A_1455, %select_n3A_1344 : vector<16xi1>, vector<16xi32>
    %broadcast_in_dim3A_1457 = arith.constant 0 : i32
    %broadcast_in_dim3A_1458 = vector.broadcast %broadcast_in_dim3A_1457 : i32 to vector<16xi32>
    %get3A_1459 = arith.constant 1664 : index
    %get3A_1460 = tpu.vector_load %arg5[%get3A_1459] {strides = array<i32>} : memref<2048xi32, #tpu.memory_space<vmem>>, vector<16xi32>,
    %eq3A_1461 = arith.constant 40477 : i32
    %eq3A_1462 = vector.broadcast %eq3A_1461 : i32 to vector<16xi32>
    %eq3A_1463 = arith.cmpi eq, %get3A_1460, %eq3A_1462 : vector<16xi32>
    %add3A_1464 = arith.constant 0 : i32
    %add3A_1465 = vector.broadcast %add3A_1464 : i32 to vector<16xi32>
    %add3A_1466 = arith.addi %iota3A, %add3A_1465 : vector<16xi32>
    %jit3A_1467 = arith.constant 0 : i32
    %broadcast_in_dim3A_1468 = vector.broadcast %jit3A_1467 : i32 to vector<16xi32>
    %select_n3A_1469 = arith.select %eq3A_1463, %add3A_1466, %broadcast_in_dim3A_1468 : vector<16xi1>, vector<16xi32>
    %add3A_1470 = arith.addi %broadcast_in_dim3A_1458, %select_n3A_1469 : vector<16xi32>
    %get3A_1471 = arith.constant 1680 : index
    %get3A_1472 = tpu.vector_load %arg5[%get3A_1471] {strides = array<i32>} : memref<2048xi32, #tpu.memory_space<vmem>>, vector<16xi32>,
    %eq3A_1473 = arith.constant 40477 : i32
    %eq3A_1474 = vector.broadcast %eq3A_1473 : i32 to vector<16xi32>
    %eq3A_1475 = arith.cmpi eq, %get3A_1472, %eq3A_1474 : vector<16xi32>
    %add3A_1476 = arith.constant 16 : i32
    %add3A_1477 = vector.broadcast %add3A_1476 : i32 to vector<16xi32>
    %add3A_1478 = arith.addi %iota3A, %add3A_1477 : vector<16xi32>
    %jit3A_1479 = arith.constant 0 : i32
    %broadcast_in_dim3A_1480 = vector.broadcast %jit3A_1479 : i32 to vector<16xi32>
    %select_n3A_1481 = arith.select %eq3A_1475, %add3A_1478, %broadcast_in_dim3A_1480 : vector<16xi1>, vector<16xi32>
    %add3A_1482 = arith.addi %add3A_1470, %select_n3A_1481 : vector<16xi32>
    %get3A_1483 = arith.constant 1696 : index
    %get3A_1484 = tpu.vector_load %arg5[%get3A_1483] {strides = array<i32>} : memref<2048xi32, #tpu.memory_space<vmem>>, vector<16xi32>,
    %eq3A_1485 = arith.constant 40477 : i32
    %eq3A_1486 = vector.broadcast %eq3A_1485 : i32 to vector<16xi32>
    %eq3A_1487 = arith.cmpi eq, %get3A_1484, %eq3A_1486 : vector<16xi32>
    %add3A_1488 = arith.constant 32 : i32
    %add3A_1489 = vector.broadcast %add3A_1488 : i32 to vector<16xi32>
    %add3A_1490 = arith.addi %iota3A, %add3A_1489 : vector<16xi32>
    %jit3A_1491 = arith.constant 0 : i32
    %broadcast_in_dim3A_1492 = vector.broadcast %jit3A_1491 : i32 to vector<16xi32>
    %select_n3A_1493 = arith.select %eq3A_1487, %add3A_1490, %broadcast_in_dim3A_1492 : vector<16xi1>, vector<16xi32>
    %add3A_1494 = arith.addi %add3A_1482, %select_n3A_1493 : vector<16xi32>
    %get3A_1495 = arith.constant 1712 : index
    %get3A_1496 = tpu.vector_load %arg5[%get3A_1495] {strides = array<i32>} : memref<2048xi32, #tpu.memory_space<vmem>>, vector<16xi32>,
    %eq3A_1497 = arith.constant 40477 : i32
    %eq3A_1498 = vector.broadcast %eq3A_1497 : i32 to vector<16xi32>
    %eq3A_1499 = arith.cmpi eq, %get3A_1496, %eq3A_1498 : vector<16xi32>
    %add3A_1500 = arith.constant 48 : i32
    %add3A_1501 = vector.broadcast %add3A_1500 : i32 to vector<16xi32>
    %add3A_1502 = arith.addi %iota3A, %add3A_1501 : vector<16xi32>
    %jit3A_1503 = arith.constant 0 : i32
    %broadcast_in_dim3A_1504 = vector.broadcast %jit3A_1503 : i32 to vector<16xi32>
    %select_n3A_1505 = arith.select %eq3A_1499, %add3A_1502, %broadcast_in_dim3A_1504 : vector<16xi1>, vector<16xi32>
    %add3A_1506 = arith.addi %add3A_1494, %select_n3A_1505 : vector<16xi32>
    %get3A_1507 = arith.constant 1728 : index
    %get3A_1508 = tpu.vector_load %arg5[%get3A_1507] {strides = array<i32>} : memref<2048xi32, #tpu.memory_space<vmem>>, vector<16xi32>,
    %eq3A_1509 = arith.constant 40477 : i32
    %eq3A_1510 = vector.broadcast %eq3A_1509 : i32 to vector<16xi32>
    %eq3A_1511 = arith.cmpi eq, %get3A_1508, %eq3A_1510 : vector<16xi32>
    %add3A_1512 = arith.constant 64 : i32
    %add3A_1513 = vector.broadcast %add3A_1512 : i32 to vector<16xi32>
    %add3A_1514 = arith.addi %iota3A, %add3A_1513 : vector<16xi32>
    %jit3A_1515 = arith.constant 0 : i32
    %broadcast_in_dim3A_1516 = vector.broadcast %jit3A_1515 : i32 to vector<16xi32>
    %select_n3A_1517 = arith.select %eq3A_1511, %add3A_1514, %broadcast_in_dim3A_1516 : vector<16xi1>, vector<16xi32>
    %add3A_1518 = arith.addi %add3A_1506, %select_n3A_1517 : vector<16xi32>
    %get3A_1519 = arith.constant 1744 : index
    %get3A_1520 = tpu.vector_load %arg5[%get3A_1519] {strides = array<i32>} : memref<2048xi32, #tpu.memory_space<vmem>>, vector<16xi32>,
    %eq3A_1521 = arith.constant 40477 : i32
    %eq3A_1522 = vector.broadcast %eq3A_1521 : i32 to vector<16xi32>
    %eq3A_1523 = arith.cmpi eq, %get3A_1520, %eq3A_1522 : vector<16xi32>
    %add3A_1524 = arith.constant 80 : i32
    %add3A_1525 = vector.broadcast %add3A_1524 : i32 to vector<16xi32>
    %add3A_1526 = arith.addi %iota3A, %add3A_1525 : vector<16xi32>
    %jit3A_1527 = arith.constant 0 : i32
    %broadcast_in_dim3A_1528 = vector.broadcast %jit3A_1527 : i32 to vector<16xi32>
    %select_n3A_1529 = arith.select %eq3A_1523, %add3A_1526, %broadcast_in_dim3A_1528 : vector<16xi1>, vector<16xi32>
    %add3A_1530 = arith.addi %add3A_1518, %select_n3A_1529 : vector<16xi32>
    %get3A_1531 = arith.constant 1760 : index
    %get3A_1532 = tpu.vector_load %arg5[%get3A_1531] {strides = array<i32>} : memref<2048xi32, #tpu.memory_space<vmem>>, vector<16xi32>,
    %eq3A_1533 = arith.constant 40477 : i32
    %eq3A_1534 = vector.broadcast %eq3A_1533 : i32 to vector<16xi32>
    %eq3A_1535 = arith.cmpi eq, %get3A_1532, %eq3A_1534 : vector<16xi32>
    %add3A_1536 = arith.constant 96 : i32
    %add3A_1537 = vector.broadcast %add3A_1536 : i32 to vector<16xi32>
    %add3A_1538 = arith.addi %iota3A, %add3A_1537 : vector<16xi32>
    %jit3A_1539 = arith.constant 0 : i32
    %broadcast_in_dim3A_1540 = vector.broadcast %jit3A_1539 : i32 to vector<16xi32>
    %select_n3A_1541 = arith.select %eq3A_1535, %add3A_1538, %broadcast_in_dim3A_1540 : vector<16xi1>, vector<16xi32>
    %add3A_1542 = arith.addi %add3A_1530, %select_n3A_1541 : vector<16xi32>
    %get3A_1543 = arith.constant 1776 : index
    %get3A_1544 = tpu.vector_load %arg5[%get3A_1543] {strides = array<i32>} : memref<2048xi32, #tpu.memory_space<vmem>>, vector<16xi32>,
    %eq3A_1545 = arith.constant 40477 : i32
    %eq3A_1546 = vector.broadcast %eq3A_1545 : i32 to vector<16xi32>
    %eq3A_1547 = arith.cmpi eq, %get3A_1544, %eq3A_1546 : vector<16xi32>
    %add3A_1548 = arith.constant 112 : i32
    %add3A_1549 = vector.broadcast %add3A_1548 : i32 to vector<16xi32>
    %add3A_1550 = arith.addi %iota3A, %add3A_1549 : vector<16xi32>
    %jit3A_1551 = arith.constant 0 : i32
    %broadcast_in_dim3A_1552 = vector.broadcast %jit3A_1551 : i32 to vector<16xi32>
    %select_n3A_1553 = arith.select %eq3A_1547, %add3A_1550, %broadcast_in_dim3A_1552 : vector<16xi1>, vector<16xi32>
    %add3A_1554 = arith.addi %add3A_1542, %select_n3A_1553 : vector<16xi32>
    %reduce_sum3A_1555 = arith.constant true
    %reduce_sum3A_1556 = vector.broadcast %reduce_sum3A_1555 : i1 to vector<16xi1>
    %reduce_sum3A_1557 = tpu.scan <sum>, %add3A_1554 masked %reduce_sum3A_1556 : vector<16xi32>, vector<16xi1> -> vector<16xi32>
    %reduce_sum3A_1558 = vector.extract %reduce_sum3A_1557[15] : i32 from vector<16xi32>
    %eq3A_1559 = arith.constant 13 : i32
    %eq3A_1560 = vector.broadcast %eq3A_1559 : i32 to vector<16xi32>
    %eq3A_1561 = arith.cmpi eq, %iota3A, %eq3A_1560 : vector<16xi32>
    %add3A_1562 = arith.constant 13 : i32
    %add3A_1563 = arith.addi %mul3A_2, %add3A_1562 : i32
    %mul3A_1564 = arith.constant 128 : i32
    %mul3A_1565 = arith.muli %add3A_1563, %mul3A_1564 : i32
    %add3A_1566 = arith.addi %mul3A_1565, %reduce_sum3A_1558 : i32
    %broadcast_in_dim3A_1567 = vector.broadcast %add3A_1566 : i32 to vector<16xi32>
    %select_n3A_1568 = arith.select %eq3A_1561, %broadcast_in_dim3A_1567, %select_n3A_1456 : vector<16xi1>, vector<16xi32>
    %broadcast_in_dim3A_1569 = arith.constant 0 : i32
    %broadcast_in_dim3A_1570 = vector.broadcast %broadcast_in_dim3A_1569 : i32 to vector<16xi32>
    %get3A_1571 = arith.constant 1792 : index
    %get3A_1572 = tpu.vector_load %arg5[%get3A_1571] {strides = array<i32>} : memref<2048xi32, #tpu.memory_space<vmem>>, vector<16xi32>,
    %eq3A_1573 = arith.constant 40477 : i32
    %eq3A_1574 = vector.broadcast %eq3A_1573 : i32 to vector<16xi32>
    %eq3A_1575 = arith.cmpi eq, %get3A_1572, %eq3A_1574 : vector<16xi32>
    %add3A_1576 = arith.constant 0 : i32
    %add3A_1577 = vector.broadcast %add3A_1576 : i32 to vector<16xi32>
    %add3A_1578 = arith.addi %iota3A, %add3A_1577 : vector<16xi32>
    %jit3A_1579 = arith.constant 0 : i32
    %broadcast_in_dim3A_1580 = vector.broadcast %jit3A_1579 : i32 to vector<16xi32>
    %select_n3A_1581 = arith.select %eq3A_1575, %add3A_1578, %broadcast_in_dim3A_1580 : vector<16xi1>, vector<16xi32>
    %add3A_1582 = arith.addi %broadcast_in_dim3A_1570, %select_n3A_1581 : vector<16xi32>
    %get3A_1583 = arith.constant 1808 : index
    %get3A_1584 = tpu.vector_load %arg5[%get3A_1583] {strides = array<i32>} : memref<2048xi32, #tpu.memory_space<vmem>>, vector<16xi32>,
    %eq3A_1585 = arith.constant 40477 : i32
    %eq3A_1586 = vector.broadcast %eq3A_1585 : i32 to vector<16xi32>
    %eq3A_1587 = arith.cmpi eq, %get3A_1584, %eq3A_1586 : vector<16xi32>
    %add3A_1588 = arith.constant 16 : i32
    %add3A_1589 = vector.broadcast %add3A_1588 : i32 to vector<16xi32>
    %add3A_1590 = arith.addi %iota3A, %add3A_1589 : vector<16xi32>
    %jit3A_1591 = arith.constant 0 : i32
    %broadcast_in_dim3A_1592 = vector.broadcast %jit3A_1591 : i32 to vector<16xi32>
    %select_n3A_1593 = arith.select %eq3A_1587, %add3A_1590, %broadcast_in_dim3A_1592 : vector<16xi1>, vector<16xi32>
    %add3A_1594 = arith.addi %add3A_1582, %select_n3A_1593 : vector<16xi32>
    %get3A_1595 = arith.constant 1824 : index
    %get3A_1596 = tpu.vector_load %arg5[%get3A_1595] {strides = array<i32>} : memref<2048xi32, #tpu.memory_space<vmem>>, vector<16xi32>,
    %eq3A_1597 = arith.constant 40477 : i32
    %eq3A_1598 = vector.broadcast %eq3A_1597 : i32 to vector<16xi32>
    %eq3A_1599 = arith.cmpi eq, %get3A_1596, %eq3A_1598 : vector<16xi32>
    %add3A_1600 = arith.constant 32 : i32
    %add3A_1601 = vector.broadcast %add3A_1600 : i32 to vector<16xi32>
    %add3A_1602 = arith.addi %iota3A, %add3A_1601 : vector<16xi32>
    %jit3A_1603 = arith.constant 0 : i32
    %broadcast_in_dim3A_1604 = vector.broadcast %jit3A_1603 : i32 to vector<16xi32>
    %select_n3A_1605 = arith.select %eq3A_1599, %add3A_1602, %broadcast_in_dim3A_1604 : vector<16xi1>, vector<16xi32>
    %add3A_1606 = arith.addi %add3A_1594, %select_n3A_1605 : vector<16xi32>
    %get3A_1607 = arith.constant 1840 : index
    %get3A_1608 = tpu.vector_load %arg5[%get3A_1607] {strides = array<i32>} : memref<2048xi32, #tpu.memory_space<vmem>>, vector<16xi32>,
    %eq3A_1609 = arith.constant 40477 : i32
    %eq3A_1610 = vector.broadcast %eq3A_1609 : i32 to vector<16xi32>
    %eq3A_1611 = arith.cmpi eq, %get3A_1608, %eq3A_1610 : vector<16xi32>
    %add3A_1612 = arith.constant 48 : i32
    %add3A_1613 = vector.broadcast %add3A_1612 : i32 to vector<16xi32>
    %add3A_1614 = arith.addi %iota3A, %add3A_1613 : vector<16xi32>
    %jit3A_1615 = arith.constant 0 : i32
    %broadcast_in_dim3A_1616 = vector.broadcast %jit3A_1615 : i32 to vector<16xi32>
    %select_n3A_1617 = arith.select %eq3A_1611, %add3A_1614, %broadcast_in_dim3A_1616 : vector<16xi1>, vector<16xi32>
    %add3A_1618 = arith.addi %add3A_1606, %select_n3A_1617 : vector<16xi32>
    %get3A_1619 = arith.constant 1856 : index
    %get3A_1620 = tpu.vector_load %arg5[%get3A_1619] {strides = array<i32>} : memref<2048xi32, #tpu.memory_space<vmem>>, vector<16xi32>,
    %eq3A_1621 = arith.constant 40477 : i32
    %eq3A_1622 = vector.broadcast %eq3A_1621 : i32 to vector<16xi32>
    %eq3A_1623 = arith.cmpi eq, %get3A_1620, %eq3A_1622 : vector<16xi32>
    %add3A_1624 = arith.constant 64 : i32
    %add3A_1625 = vector.broadcast %add3A_1624 : i32 to vector<16xi32>
    %add3A_1626 = arith.addi %iota3A, %add3A_1625 : vector<16xi32>
    %jit3A_1627 = arith.constant 0 : i32
    %broadcast_in_dim3A_1628 = vector.broadcast %jit3A_1627 : i32 to vector<16xi32>
    %select_n3A_1629 = arith.select %eq3A_1623, %add3A_1626, %broadcast_in_dim3A_1628 : vector<16xi1>, vector<16xi32>
    %add3A_1630 = arith.addi %add3A_1618, %select_n3A_1629 : vector<16xi32>
    %get3A_1631 = arith.constant 1872 : index
    %get3A_1632 = tpu.vector_load %arg5[%get3A_1631] {strides = array<i32>} : memref<2048xi32, #tpu.memory_space<vmem>>, vector<16xi32>,
    %eq3A_1633 = arith.constant 40477 : i32
    %eq3A_1634 = vector.broadcast %eq3A_1633 : i32 to vector<16xi32>
    %eq3A_1635 = arith.cmpi eq, %get3A_1632, %eq3A_1634 : vector<16xi32>
    %add3A_1636 = arith.constant 80 : i32
    %add3A_1637 = vector.broadcast %add3A_1636 : i32 to vector<16xi32>
    %add3A_1638 = arith.addi %iota3A, %add3A_1637 : vector<16xi32>
    %jit3A_1639 = arith.constant 0 : i32
    %broadcast_in_dim3A_1640 = vector.broadcast %jit3A_1639 : i32 to vector<16xi32>
    %select_n3A_1641 = arith.select %eq3A_1635, %add3A_1638, %broadcast_in_dim3A_1640 : vector<16xi1>, vector<16xi32>
    %add3A_1642 = arith.addi %add3A_1630, %select_n3A_1641 : vector<16xi32>
    %get3A_1643 = arith.constant 1888 : index
    %get3A_1644 = tpu.vector_load %arg5[%get3A_1643] {strides = array<i32>} : memref<2048xi32, #tpu.memory_space<vmem>>, vector<16xi32>,
    %eq3A_1645 = arith.constant 40477 : i32
    %eq3A_1646 = vector.broadcast %eq3A_1645 : i32 to vector<16xi32>
    %eq3A_1647 = arith.cmpi eq, %get3A_1644, %eq3A_1646 : vector<16xi32>
    %add3A_1648 = arith.constant 96 : i32
    %add3A_1649 = vector.broadcast %add3A_1648 : i32 to vector<16xi32>
    %add3A_1650 = arith.addi %iota3A, %add3A_1649 : vector<16xi32>
    %jit3A_1651 = arith.constant 0 : i32
    %broadcast_in_dim3A_1652 = vector.broadcast %jit3A_1651 : i32 to vector<16xi32>
    %select_n3A_1653 = arith.select %eq3A_1647, %add3A_1650, %broadcast_in_dim3A_1652 : vector<16xi1>, vector<16xi32>
    %add3A_1654 = arith.addi %add3A_1642, %select_n3A_1653 : vector<16xi32>
    %get3A_1655 = arith.constant 1904 : index
    %get3A_1656 = tpu.vector_load %arg5[%get3A_1655] {strides = array<i32>} : memref<2048xi32, #tpu.memory_space<vmem>>, vector<16xi32>,
    %eq3A_1657 = arith.constant 40477 : i32
    %eq3A_1658 = vector.broadcast %eq3A_1657 : i32 to vector<16xi32>
    %eq3A_1659 = arith.cmpi eq, %get3A_1656, %eq3A_1658 : vector<16xi32>
    %add3A_1660 = arith.constant 112 : i32
    %add3A_1661 = vector.broadcast %add3A_1660 : i32 to vector<16xi32>
    %add3A_1662 = arith.addi %iota3A, %add3A_1661 : vector<16xi32>
    %jit3A_1663 = arith.constant 0 : i32
    %broadcast_in_dim3A_1664 = vector.broadcast %jit3A_1663 : i32 to vector<16xi32>
    %select_n3A_1665 = arith.select %eq3A_1659, %add3A_1662, %broadcast_in_dim3A_1664 : vector<16xi1>, vector<16xi32>
    %add3A_1666 = arith.addi %add3A_1654, %select_n3A_1665 : vector<16xi32>
    %reduce_sum3A_1667 = arith.constant true
    %reduce_sum3A_1668 = vector.broadcast %reduce_sum3A_1667 : i1 to vector<16xi1>
    %reduce_sum3A_1669 = tpu.scan <sum>, %add3A_1666 masked %reduce_sum3A_1668 : vector<16xi32>, vector<16xi1> -> vector<16xi32>
    %reduce_sum3A_1670 = vector.extract %reduce_sum3A_1669[15] : i32 from vector<16xi32>
    %eq3A_1671 = arith.constant 14 : i32
    %eq3A_1672 = vector.broadcast %eq3A_1671 : i32 to vector<16xi32>
    %eq3A_1673 = arith.cmpi eq, %iota3A, %eq3A_1672 : vector<16xi32>
    %add3A_1674 = arith.constant 14 : i32
    %add3A_1675 = arith.addi %mul3A_2, %add3A_1674 : i32
    %mul3A_1676 = arith.constant 128 : i32
    %mul3A_1677 = arith.muli %add3A_1675, %mul3A_1676 : i32
    %add3A_1678 = arith.addi %mul3A_1677, %reduce_sum3A_1670 : i32
    %broadcast_in_dim3A_1679 = vector.broadcast %add3A_1678 : i32 to vector<16xi32>
    %select_n3A_1680 = arith.select %eq3A_1673, %broadcast_in_dim3A_1679, %select_n3A_1568 : vector<16xi1>, vector<16xi32>
    %broadcast_in_dim3A_1681 = arith.constant 0 : i32
    %broadcast_in_dim3A_1682 = vector.broadcast %broadcast_in_dim3A_1681 : i32 to vector<16xi32>
    %get3A_1683 = arith.constant 1920 : index
    %get3A_1684 = tpu.vector_load %arg5[%get3A_1683] {strides = array<i32>} : memref<2048xi32, #tpu.memory_space<vmem>>, vector<16xi32>,
    %eq3A_1685 = arith.constant 40477 : i32
    %eq3A_1686 = vector.broadcast %eq3A_1685 : i32 to vector<16xi32>
    %eq3A_1687 = arith.cmpi eq, %get3A_1684, %eq3A_1686 : vector<16xi32>
    %add3A_1688 = arith.constant 0 : i32
    %add3A_1689 = vector.broadcast %add3A_1688 : i32 to vector<16xi32>
    %add3A_1690 = arith.addi %iota3A, %add3A_1689 : vector<16xi32>
    %jit3A_1691 = arith.constant 0 : i32
    %broadcast_in_dim3A_1692 = vector.broadcast %jit3A_1691 : i32 to vector<16xi32>
    %select_n3A_1693 = arith.select %eq3A_1687, %add3A_1690, %broadcast_in_dim3A_1692 : vector<16xi1>, vector<16xi32>
    %add3A_1694 = arith.addi %broadcast_in_dim3A_1682, %select_n3A_1693 : vector<16xi32>
    %get3A_1695 = arith.constant 1936 : index
    %get3A_1696 = tpu.vector_load %arg5[%get3A_1695] {strides = array<i32>} : memref<2048xi32, #tpu.memory_space<vmem>>, vector<16xi32>,
    %eq3A_1697 = arith.constant 40477 : i32
    %eq3A_1698 = vector.broadcast %eq3A_1697 : i32 to vector<16xi32>
    %eq3A_1699 = arith.cmpi eq, %get3A_1696, %eq3A_1698 : vector<16xi32>
    %add3A_1700 = arith.constant 16 : i32
    %add3A_1701 = vector.broadcast %add3A_1700 : i32 to vector<16xi32>
    %add3A_1702 = arith.addi %iota3A, %add3A_1701 : vector<16xi32>
    %jit3A_1703 = arith.constant 0 : i32
    %broadcast_in_dim3A_1704 = vector.broadcast %jit3A_1703 : i32 to vector<16xi32>
    %select_n3A_1705 = arith.select %eq3A_1699, %add3A_1702, %broadcast_in_dim3A_1704 : vector<16xi1>, vector<16xi32>
    %add3A_1706 = arith.addi %add3A_1694, %select_n3A_1705 : vector<16xi32>
    %get3A_1707 = arith.constant 1952 : index
    %get3A_1708 = tpu.vector_load %arg5[%get3A_1707] {strides = array<i32>} : memref<2048xi32, #tpu.memory_space<vmem>>, vector<16xi32>,
    %eq3A_1709 = arith.constant 40477 : i32
    %eq3A_1710 = vector.broadcast %eq3A_1709 : i32 to vector<16xi32>
    %eq3A_1711 = arith.cmpi eq, %get3A_1708, %eq3A_1710 : vector<16xi32>
    %add3A_1712 = arith.constant 32 : i32
    %add3A_1713 = vector.broadcast %add3A_1712 : i32 to vector<16xi32>
    %add3A_1714 = arith.addi %iota3A, %add3A_1713 : vector<16xi32>
    %jit3A_1715 = arith.constant 0 : i32
    %broadcast_in_dim3A_1716 = vector.broadcast %jit3A_1715 : i32 to vector<16xi32>
    %select_n3A_1717 = arith.select %eq3A_1711, %add3A_1714, %broadcast_in_dim3A_1716 : vector<16xi1>, vector<16xi32>
    %add3A_1718 = arith.addi %add3A_1706, %select_n3A_1717 : vector<16xi32>
    %get3A_1719 = arith.constant 1968 : index
    %get3A_1720 = tpu.vector_load %arg5[%get3A_1719] {strides = array<i32>} : memref<2048xi32, #tpu.memory_space<vmem>>, vector<16xi32>,
    %eq3A_1721 = arith.constant 40477 : i32
    %eq3A_1722 = vector.broadcast %eq3A_1721 : i32 to vector<16xi32>
    %eq3A_1723 = arith.cmpi eq, %get3A_1720, %eq3A_1722 : vector<16xi32>
    %add3A_1724 = arith.constant 48 : i32
    %add3A_1725 = vector.broadcast %add3A_1724 : i32 to vector<16xi32>
    %add3A_1726 = arith.addi %iota3A, %add3A_1725 : vector<16xi32>
    %jit3A_1727 = arith.constant 0 : i32
    %broadcast_in_dim3A_1728 = vector.broadcast %jit3A_1727 : i32 to vector<16xi32>
    %select_n3A_1729 = arith.select %eq3A_1723, %add3A_1726, %broadcast_in_dim3A_1728 : vector<16xi1>, vector<16xi32>
    %add3A_1730 = arith.addi %add3A_1718, %select_n3A_1729 : vector<16xi32>
    %get3A_1731 = arith.constant 1984 : index
    %get3A_1732 = tpu.vector_load %arg5[%get3A_1731] {strides = array<i32>} : memref<2048xi32, #tpu.memory_space<vmem>>, vector<16xi32>,
    %eq3A_1733 = arith.constant 40477 : i32
    %eq3A_1734 = vector.broadcast %eq3A_1733 : i32 to vector<16xi32>
    %eq3A_1735 = arith.cmpi eq, %get3A_1732, %eq3A_1734 : vector<16xi32>
    %add3A_1736 = arith.constant 64 : i32
    %add3A_1737 = vector.broadcast %add3A_1736 : i32 to vector<16xi32>
    %add3A_1738 = arith.addi %iota3A, %add3A_1737 : vector<16xi32>
    %jit3A_1739 = arith.constant 0 : i32
    %broadcast_in_dim3A_1740 = vector.broadcast %jit3A_1739 : i32 to vector<16xi32>
    %select_n3A_1741 = arith.select %eq3A_1735, %add3A_1738, %broadcast_in_dim3A_1740 : vector<16xi1>, vector<16xi32>
    %add3A_1742 = arith.addi %add3A_1730, %select_n3A_1741 : vector<16xi32>
    %get3A_1743 = arith.constant 2000 : index
    %get3A_1744 = tpu.vector_load %arg5[%get3A_1743] {strides = array<i32>} : memref<2048xi32, #tpu.memory_space<vmem>>, vector<16xi32>,
    %eq3A_1745 = arith.constant 40477 : i32
    %eq3A_1746 = vector.broadcast %eq3A_1745 : i32 to vector<16xi32>
    %eq3A_1747 = arith.cmpi eq, %get3A_1744, %eq3A_1746 : vector<16xi32>
    %add3A_1748 = arith.constant 80 : i32
    %add3A_1749 = vector.broadcast %add3A_1748 : i32 to vector<16xi32>
    %add3A_1750 = arith.addi %iota3A, %add3A_1749 : vector<16xi32>
    %jit3A_1751 = arith.constant 0 : i32
    %broadcast_in_dim3A_1752 = vector.broadcast %jit3A_1751 : i32 to vector<16xi32>
    %select_n3A_1753 = arith.select %eq3A_1747, %add3A_1750, %broadcast_in_dim3A_1752 : vector<16xi1>, vector<16xi32>
    %add3A_1754 = arith.addi %add3A_1742, %select_n3A_1753 : vector<16xi32>
    %get3A_1755 = arith.constant 2016 : index
    %get3A_1756 = tpu.vector_load %arg5[%get3A_1755] {strides = array<i32>} : memref<2048xi32, #tpu.memory_space<vmem>>, vector<16xi32>,
    %eq3A_1757 = arith.constant 40477 : i32
    %eq3A_1758 = vector.broadcast %eq3A_1757 : i32 to vector<16xi32>
    %eq3A_1759 = arith.cmpi eq, %get3A_1756, %eq3A_1758 : vector<16xi32>
    %add3A_1760 = arith.constant 96 : i32
    %add3A_1761 = vector.broadcast %add3A_1760 : i32 to vector<16xi32>
    %add3A_1762 = arith.addi %iota3A, %add3A_1761 : vector<16xi32>
    %jit3A_1763 = arith.constant 0 : i32
    %broadcast_in_dim3A_1764 = vector.broadcast %jit3A_1763 : i32 to vector<16xi32>
    %select_n3A_1765 = arith.select %eq3A_1759, %add3A_1762, %broadcast_in_dim3A_1764 : vector<16xi1>, vector<16xi32>
    %add3A_1766 = arith.addi %add3A_1754, %select_n3A_1765 : vector<16xi32>
    %get3A_1767 = arith.constant 2032 : index
    %get3A_1768 = tpu.vector_load %arg5[%get3A_1767] {strides = array<i32>} : memref<2048xi32, #tpu.memory_space<vmem>>, vector<16xi32>,
    %eq3A_1769 = arith.constant 40477 : i32
    %eq3A_1770 = vector.broadcast %eq3A_1769 : i32 to vector<16xi32>
    %eq3A_1771 = arith.cmpi eq, %get3A_1768, %eq3A_1770 : vector<16xi32>
    %add3A_1772 = arith.constant 112 : i32
    %add3A_1773 = vector.broadcast %add3A_1772 : i32 to vector<16xi32>
    %add3A_1774 = arith.addi %iota3A, %add3A_1773 : vector<16xi32>
    %jit3A_1775 = arith.constant 0 : i32
    %broadcast_in_dim3A_1776 = vector.broadcast %jit3A_1775 : i32 to vector<16xi32>
    %select_n3A_1777 = arith.select %eq3A_1771, %add3A_1774, %broadcast_in_dim3A_1776 : vector<16xi1>, vector<16xi32>
    %add3A_1778 = arith.addi %add3A_1766, %select_n3A_1777 : vector<16xi32>
    %reduce_sum3A_1779 = arith.constant true
    %reduce_sum3A_1780 = vector.broadcast %reduce_sum3A_1779 : i1 to vector<16xi1>
    %reduce_sum3A_1781 = tpu.scan <sum>, %add3A_1778 masked %reduce_sum3A_1780 : vector<16xi32>, vector<16xi1> -> vector<16xi32>
    %reduce_sum3A_1782 = vector.extract %reduce_sum3A_1781[15] : i32 from vector<16xi32>
    %eq3A_1783 = arith.constant 15 : i32
    %eq3A_1784 = vector.broadcast %eq3A_1783 : i32 to vector<16xi32>
    %eq3A_1785 = arith.cmpi eq, %iota3A, %eq3A_1784 : vector<16xi32>
    %add3A_1786 = arith.constant 15 : i32
    %add3A_1787 = arith.addi %mul3A_2, %add3A_1786 : i32
    %mul3A_1788 = arith.constant 128 : i32
    %mul3A_1789 = arith.muli %add3A_1787, %mul3A_1788 : i32
    %add3A_1790 = arith.addi %mul3A_1789, %reduce_sum3A_1782 : i32
    %broadcast_in_dim3A_1791 = vector.broadcast %add3A_1790 : i32 to vector<16xi32>
    %select_n3A_1792 = arith.select %eq3A_1785, %broadcast_in_dim3A_1791, %select_n3A_1680 : vector<16xi1>, vector<16xi32>
    %swap3A = arith.constant 0 : index
    %swap3A_1793 = tpu.vector_load %arg6[%swap3A] {strides = array<i32>} : memref<16xi32, #tpu.memory_space<vmem>>, vector<16xi32>,
    tpu.vector_store %arg6[%swap3A], %select_n3A_1792 {strides = array<i32>} : memref<16xi32, #tpu.memory_space<vmem>>, vector<16xi32>,
    %dma_start3A = arith.constant 0 : i32
    %dma_start3A_1794 = arith.constant 0 : i32
    %dma_start3A_1795 = tpu.memref_slice %arg3[%dma_start3A, %dma_start3A_1794] : memref<32768x1024xf32, #tpu.memory_space<hbm>> -> memref<32768x1024xf32, #tpu.memory_space<hbm>>
    tpu.enqueue_indirect_dma source(%dma_start3A_1795 : memref<32768x1024xf32, #tpu.memory_space<hbm>>) target(%arg7 : memref<16x1024xf32, #tpu.memory_space<vmem>>) offsets(%arg6 : memref<16xi32, #tpu.memory_space<vmem>>) semaphore(%arg8 : memref<!tpu.dma_semaphore, #tpu.memory_space<semaphore_mem>>)
    %dma_wait3A = arith.constant 0 : i32
    %dma_wait3A_1796 = arith.constant 0 : i32
    %dma_wait3A_1797 = tpu.memref_slice %arg3[%dma_wait3A, %dma_wait3A_1796] : memref<32768x1024xf32, #tpu.memory_space<hbm>> -> memref<32768x1024xf32, #tpu.memory_space<hbm>>
    tpu.wait_indirect_dma semaphore(%arg8 : memref<!tpu.dma_semaphore, #tpu.memory_space<semaphore_mem>>) src(%dma_wait3A_1797 : memref<32768x1024xf32, #tpu.memory_space<hbm>>) dst(%arg7 : memref<16x1024xf32, #tpu.memory_space<vmem>>)
    "tpu.region"() ({
      %run_scoped3A = tpu.sem_alloc : memref<!tpu.dma_semaphore, #tpu.memory_space<semaphore_mem>>
      %dma_start3A_1798 = arith.constant 0 : i32
      %dma_start3A_1799 = tpu.memref_slice %arg4[%mul3A_2, %dma_start3A_1798] : memref<256x1024xf32, #tpu.memory_space<hbm>> -> memref<16x1024xf32, #tpu.memory_space<hbm>>
      %dma_start3A_1800 = arith.constant 0 : i32
      %dma_start3A_1801 = tpu.memref_slice %arg4[%mul3A_2, %dma_start3A_1800] : memref<256x1024xf32, #tpu.memory_space<hbm>> -> memref<16x1024xf32, #tpu.memory_space<hbm>>
      tpu.enqueue_dma source(%arg7 : memref<16x1024xf32, #tpu.memory_space<vmem>>) target(%dma_start3A_1801 : memref<16x1024xf32, #tpu.memory_space<hbm>>) target_semaphore(%run_scoped3A : memref<!tpu.dma_semaphore, #tpu.memory_space<semaphore_mem>>)
      %dma_wait3A_1802 = arith.constant 0 : i32
      %dma_wait3A_1803 = tpu.memref_slice %arg4[%mul3A_2, %dma_wait3A_1802] : memref<256x1024xf32, #tpu.memory_space<hbm>> -> memref<16x1024xf32, #tpu.memory_space<hbm>>
      %dma_wait3A_1804 = arith.constant 0 : i32
      %dma_wait3A_1805 = tpu.memref_slice %arg4[%mul3A_2, %dma_wait3A_1804] : memref<256x1024xf32, #tpu.memory_space<hbm>> -> memref<16x1024xf32, #tpu.memory_space<hbm>>
      tpu.wait_dma2 semaphore(%run_scoped3A : memref<!tpu.dma_semaphore, #tpu.memory_space<semaphore_mem>>) src(%arg7 : memref<16x1024xf32, #tpu.memory_space<vmem>>) dst(%dma_wait3A_1805 : memref<16x1024xf32, #tpu.memory_space<hbm>>)
      tpu.yield
    }) : () -> ()
    return
  }
}

module attributes {stable_mosaic.version = 14 : i64} {
  func.func @_tc_head_body(%arg0: memref<256x1024xf32, #tpu.memory_space<vmem>>, %arg1: memref<32x2xi32, #tpu.memory_space<vmem>>, %arg2: memref<1024x53xf32, #tpu.memory_space<vmem>>, %arg3: memref<1x53xf32, #tpu.memory_space<vmem>>, %arg4: memref<32x53xf32, #tpu.memory_space<vmem>>) attributes {dimension_semantics = [], scalar_prefetch = 0 : i64, scratch_operands = 0 : i64, tpu.core_type = #tpu.core_type<tc>} {
    %get3A = arith.constant 0 : index
    %get3A_0 = arith.constant 0 : index
    %get3A_1 = vector.load %arg1[%get3A, %get3A_0] : memref<32x2xi32, #tpu.memory_space<vmem>>, vector<32x1xi32>
    %get3A_2 = arith.constant 0 : index
    %get3A_3 = arith.constant 1 : index
    %get3A_4 = vector.load %arg1[%get3A_2, %get3A_3] : memref<32x2xi32, #tpu.memory_space<vmem>>, vector<32x1xi32>
    %iota3A = tpu.iota {dimensions = array<i32: 1>} : vector<32x256xi32>
    %ge3A = vector.broadcast %get3A_1 : vector<32x1xi32> to vector<32x256xi32>
    %ge3A_5 = arith.cmpi sge, %iota3A, %ge3A : vector<32x256xi32>
    %lt3A = vector.broadcast %get3A_4 : vector<32x1xi32> to vector<32x256xi32>
    %lt3A_6 = arith.cmpi slt, %iota3A, %lt3A : vector<32x256xi32>
    %and3A = arith.andi %ge3A_5, %lt3A_6 : vector<32x256xi1>
    %jit3A = arith.constant 1.000000e+00 : f32
    %jit3A_7 = arith.constant 0.000000e+00 : f32
    %broadcast_in_dim3A = vector.broadcast %jit3A : f32 to vector<32x256xf32>
    %broadcast_in_dim3A_8 = vector.broadcast %jit3A_7 : f32 to vector<32x256xf32>
    %select_n3A = arith.select %and3A, %broadcast_in_dim3A, %broadcast_in_dim3A_8 : vector<32x256xi1>, vector<32x256xf32>
    %sub3A = arith.subi %get3A_4, %get3A_1 : vector<32x1xi32>
    %convert_element_type3A = arith.sitofp %sub3A : vector<32x1xi32> to vector<32x1xf32>
    %div3A = arith.constant 1.000000e+00 : f32
    %div3A_9 = vector.broadcast %div3A : f32 to vector<32x1xf32>
    %div3A_10 = arith.divf %div3A_9, %convert_element_type3A : vector<32x1xf32>
    %mul3A = vector.broadcast %div3A_10 : vector<32x1xf32> to vector<32x256xf32>
    %mul3A_11 = arith.mulf %select_n3A, %mul3A : vector<32x256xf32>
    %get3A_12 = arith.constant 0 : index
    %get3A_13 = arith.constant 0 : index
    %get3A_14 = vector.load %arg0[%get3A_12, %get3A_13] : memref<256x1024xf32, #tpu.memory_space<vmem>>, vector<256x1024xf32>
    %dot_general3A = arith.constant dense<0.000000e+00> : vector<32x1024xf32>
    %dot_general3A_15 = tpu.matmul %mul3A_11, %get3A_14, %dot_general3A {dimension_numbers = #tpu.dot_dimension_numbers<[1], [0], [0], [1], [0, 0, 1, 1], [], []>, transpose_lhs_hint = false} : vector<32x256xf32>, vector<256x1024xf32>, vector<32x1024xf32> -> vector<32x1024xf32>
    %get3A_16 = arith.constant 0 : index
    %get3A_17 = arith.constant 0 : index
    %get3A_18 = vector.load %arg2[%get3A_16, %get3A_17] : memref<1024x53xf32, #tpu.memory_space<vmem>>, vector<1024x53xf32>
    %dot_general3A_19 = arith.constant dense<0.000000e+00> : vector<32x53xf32>
    %dot_general3A_20 = tpu.matmul %dot_general3A_15, %get3A_18, %dot_general3A_19 {dimension_numbers = #tpu.dot_dimension_numbers<[1], [0], [0], [1], [0, 0, 1, 1], [], []>, transpose_lhs_hint = false} : vector<32x1024xf32>, vector<1024x53xf32>, vector<32x53xf32> -> vector<32x53xf32>
    %get3A_21 = arith.constant 0 : index
    %get3A_22 = arith.constant 0 : index
    %get3A_23 = vector.load %arg3[%get3A_21, %get3A_22] : memref<1x53xf32, #tpu.memory_space<vmem>>, vector<1x53xf32>
    %add3A = vector.broadcast %get3A_23 : vector<1x53xf32> to vector<32x53xf32>
    %add3A_24 = arith.addf %dot_general3A_20, %add3A : vector<32x53xf32>
    %swap3A = arith.constant 0 : index
    %swap3A_25 = arith.constant 0 : index
    %swap3A_26 = vector.load %arg4[%swap3A, %swap3A_25] : memref<32x53xf32, #tpu.memory_space<vmem>>, vector<32x53xf32>
    tpu.vector_store %arg4[%swap3A, %swap3A_25], %add3A_24 {strides = array<i32>} : memref<32x53xf32, #tpu.memory_space<vmem>>, vector<32x53xf32>,
    return
  }
}

</mosaic_0001>

<sc_bundles>
// kernel: kernel.4.cloned.1.call-start
scs
__scs_entry_jumppad:
0x0: {  	(pc) =	sbr.rel $0x88, $3  }
0x1: {  	(tag) =	ssettag $0x0;
	lr =	simm.s32 $0x1  }
0x2: {  	[smem:$0x3F9C] =	sst lr;
	_ =	strace $0xD0000000  }
0x3: {  	_ = 	snop  }
0x4: {  	_ = 	snop  }
0x5: {  	_ = 	snop  }
0x6: {  	_ = 	snop  }
0x7: {  	_ = 	snop  }
__scs_overlays_trampoline_lowered:
0x8: {  	[smem:$0x3FAB] =	sst s0  }
0x9: {  	[smem:$0x3FAC] =	sst s1  }
0xa: {  	[smem:$0x3FAD] =	sst s2  }
0xb: {  	[smem:$0x3FAE] =	sst s3  }
0xc: {  	[smem:$0x3FAF] =	sst s4  }
0xd: {  	[smem:$0x3FB0] =	sst s5  }
0xe: {  	[smem:$0x3FB1] =	sst s6  }
0xf: {  	[smem:$0x3FB2] =	sst s7  }
0x10: {  	[smem:$0x3FB3] =	sst s8  }
0x11: {  	[smem:$0x3FB4] =	sst s9;
	s0 =	simm.s32 @!p0 $0x0  }
0x12: {  	s1 =	sld [smem:$0x3F9A];
	s0 =	simm.s32 @p0 $0x1  }
0x13: {  	[smem:$0x3FB5] =	sst s0;
	s0 =	simm.s32 @!p1 $0x0  }
0x14: {  	s2 =	sld [smem:$0x3F99];
	s0 =	simm.s32 @p1 $0x1  }
0x15: {  	[smem:$0x3FB6] =	sst s0;
	s0 =	simm.s32 @!p2 $0x0  }
0x16: {  	s3 =	sld [smem:$0x3FDB];
	s0 =	simm.s32 @p2 $0x1  }
0x17: {  	s4 =	simm.s32 $0x1BF5;
	[smem:$0x3FB8] =	sst s0  }
0x18: {  	s0 =	sld [smem:$0x3F9B];
	_ =	swait.ge [sflag:s4], $0x0  }
0x19: {  	s7 =	sld [smem:$0x3F9C]  }
0x1a: {  	s8 =	sadd.s32 $0xFFFFE003, lr  }
0x1b: {  	s9 =	sadd.s32 $0xFFFFFEF7, lr;
	s5 =	simm.s32 $0xFFFFFFFF;
	p2 =	slt.u32 s8, $0xFFFFF086  }
0x1c: {  	p1 =	slt.u32 s9, $0xF7A;
	s5 =	simm.s32 @!p2 $0x0  }
0x1d: {  	s5 =	simm.s32 @p1 $0x1;
	p0 =	seq.s32 s7, s2  }
0x1e: {  	s7 =	smul.u32 @!p0 $0xF7A, s2;
	p2 =	seq.s32 @!p0 s5, $0x0  }
0x1f: {  	s9 =	smul.u32 $0xF7A, s1;
	s8 =	simm.s32 @!p0 $0x1BF5;
	p2 =	por !p2, p0  }
0x20: {  	[sflag:s8] =	ssyncset.s32 @!p0 $0xFFFFF086;
	s6 =	sadd.s32 @!p0 s3, s7;
	s7 =	simm.s32 @!p0 $0x108  }
0x21: {  	s3 =	sadd.s32 s3, s9;
	s6 =	sadd.s32 @!p0 $0x88, s6;
	s7 =	simm.s32 @p2 $0x1082  }
0x22: {  	[simem:s7], [sflag:s8] =	dma.local @!p0 [hbm:s6], $0xF7A  }
0x23: {  	s9 =	sor.u32 $0xD0000000, s2;
	s6 =	simm.s32 $0x108;
	_ =	swait.ge @!p0 [sflag:s8], $0x0  }
0x24: {  	s3 =	sadd.s32 $0x88, s3;
	s6 =	simm.s32 @!p1 $0x1082;
	[sflag:s4] =	ssyncset.s32 $0xFFFFF086  }
0x25: {  	[simem:s6], [sflag:s4] =	dma.local [hbm:s3], $0xF7A  }
0x26: {  	[smem:$0x3F9C] =	sst s1;
	(tag) =	ssettag s2;
	_ =	strace s9  }
0x27: {  	s1 =	sld [smem:$0x3FAC]  }
0x28: {  	s2 =	sld [smem:$0x3FAD]  }
0x29: {  	s4 =	sld [smem:$0x3FAF]  }
0x2a: {  	p0 =	seq.s32 s5, $0x0;
	s5 =	sld [smem:$0x3FB0]  }
0x2b: {  	s6 =	sld [smem:$0x3FB1]  }
0x2c: {  	s7 =	sld [smem:$0x3FB2]  }
0x2d: {  	s3 =	simm.s32 $0x108;
	s8 =	sld [smem:$0x3FB3]  }
0x2e: {  	s3 =	simm.s32 @!p0 $0x1082;
	s9 =	sld [smem:$0x3FB4]  }
0x2f: {  	lr =	sadd.s32 s0, s3;
	s0 =	sld [smem:$0x3FAB]  }
0x30: {  	s3 =	sld [smem:$0x3FAE]  }
0x31: {  	[smem:$0x3FB7] =	sst s10  }
0x32: {  	s10 =	sld [smem:$0x3FB5];
	_ =	sdelay $0x3  }
0x33: {  	p0 =	seq.s32 s10, $0x1;
	s10 =	sld [smem:$0x3FB7];
	_ =	sdelay $0x3  }
0x34: {  	[smem:$0x3FB7] =	sst s10  }
0x35: {  	s10 =	sld [smem:$0x3FB6];
	_ =	sdelay $0x3  }
0x36: {  	p1 =	seq.s32 s10, $0x1;
	s10 =	sld [smem:$0x3FB7];
	_ =	sdelay $0x3  }
0x37: {  	[smem:$0x3FB7] =	sst s10  }
0x38: {  	s10 =	sld [smem:$0x3FB8]  }
0x39: {  	_ = 	snop;
	(pc) =	sbr.ind lr, $3  }
0x3a: {  	_ = 	snop  }
0x3b: {  	_ = 	snop  }
0x3c: {  	p2 =	seq.s32 s10, $0x1;
	s10 =	sld [smem:$0x3FB7]  }
0x3d: {  	_ =	shalt  }
0x3e: {  	_ =	shalt  }
0x3f: {  	_ =	shalt  }
0x40: {  	_ =	shalt  }
0x41: {  	_ =	shalt  }
0x42: {  	_ =	shalt  }
0x43: {  	_ =	shalt  }
0x44: {  	_ =	shalt  }
0x45: {  	_ =	shalt  }
0x46: {  	_ =	shalt  }
0x47: {  	_ =	shalt  }
0x48: {  	_ =	shalt  }
0x49: {  	_ =	shalt  }
0x4a: {  	_ =	shalt  }
0x4b: {  	_ =	shalt  }
0x4c: {  	_ =	shalt  }
0x4d: {  	_ =	shalt  }
0x4e: {  	_ =	shalt  }
0x4f: {  	_ =	shalt  }
0x50: {  	_ =	shalt  }
0x51: {  	_ =	shalt  }
0x52: {  	_ =	shalt  }
0x53: {  	_ =	shalt  }
0x54: {  	_ =	shalt  }
0x55: {  	_ =	shalt  }
0x56: {  	_ =	shalt  }
0x57: {  	_ =	shalt  }
0x58: {  	_ =	shalt  }
0x59: {  	_ =	shalt  }
0x5a: {  	_ =	shalt  }
0x5b: {  	_ =	shalt  }
0x5c: {  	_ =	shalt  }
0x5d: {  	_ =	shalt  }
0x5e: {  	_ =	shalt  }
0x5f: {  	_ =	shalt  }
0x60: {  	_ =	shalt  }
0x61: {  	_ =	shalt  }
0x62: {  	_ =	shalt  }
0x63: {  	_ =	shalt  }
0x64: {  	_ =	shalt  }
0x65: {  	_ =	shalt  }
0x66: {  	_ =	shalt  }
0x67: {  	_ =	shalt  }
0x68: {  	_ =	shalt  }
0x69: {  	_ =	shalt  }
0x6a: {  	_ =	shalt  }
0x6b: {  	_ =	shalt  }
0x6c: {  	_ =	shalt  }
0x6d: {  	_ =	shalt  }
0x6e: {  	_ =	shalt  }
0x6f: {  	_ =	shalt  }
0x70: {  	_ =	shalt  }
0x71: {  	_ =	shalt  }
0x72: {  	_ =	shalt  }
0x73: {  	_ =	shalt  }
0x74: {  	_ =	shalt  }
0x75: {  	_ =	shalt  }
0x76: {  	_ =	shalt  }
0x77: {  	_ =	shalt  }
0x78: {  	_ =	shalt  }
0x79: {  	_ =	shalt  }
0x7a: {  	_ =	shalt  }
0x7b: {  	_ =	shalt  }
0x7c: {  	_ =	shalt  }
0x7d: {  	_ =	shalt  }
0x7e: {  	_ =	shalt  }
0x7f: {  	_ =	shalt  }
0x80: {  	_ =	shalt  }
0x81: {  	_ =	shalt  }
0x82: {  	_ =	shalt  }
0x83: {  	_ =	shalt  }
0x84: {  	_ =	shalt  }
0x85: {  	_ =	shalt  }
0x86: {  	_ =	shalt  }
0x87: {  	_ =	shalt  }
.Lfunc_end0:
.L_simem_size_0:
called_computation_lowered:
.L_overlay_start_0:
0x88: {  	s0 =	sld [smem:$0x3FD9]  }
0x89: {  	s1 =	sld [smem:$0x3FFE];
	_ =	sdelay $0x3  }
0x8a: {  	s0 =	sadd.s32 s1, s0  }
0x8b: {  	[smem:$0x3FC3] =	sst s0  }
0x8c: {  	_ = 	snop  }
0x8d: {  	s0 =	sld [smem:$0x3FD0];
	_ =	sdelay $0x1  }
0x8e: {  	s14 =	sld [smem:$0x3FC9]  }
0x8f: {  	s3 =	simm.s32 $0xA;
	s4 =	simm.s32 $0x10;
	s2 =	sld [smem:$0x3FC8]  }
0x90: {  	[smem:s4], [sflag:s3] =	dma.local [hbm:s0], $0x1  }
0x91: {  	_ =	swait.eq [sflag:s3], $0x1  }
0x92: {  	[sflag:s3] =	ssyncset.done $0x0  }
0x93: {  	[sflag:s3] =	ssyncadd.s32 $0xFFFFFFFF  }
0x94: {  	s15 =	sld [smem:$0x11];
	(tm) =	ssettm $0x1  }
0x95: {  	s16 =	sld [smem:$0x3FFB];
	_ =	sdelay $0x3  }
0x96: {  	_ =	strace s16  }
0x97: {  	s3 =	sld [smem:$0x3FFC];
	_ =	sdelay $0x3  }
0x98: {  	_ =	strace s3  }
0x99: {  	s3 =	sld [smem:$0x3FFD];
	_ =	sdelay $0x3  }
0x9a: {  	_ =	strace s3  }
0x9b: {  	_ =	strace $0x8FFFFFFF  }
0x9c: {  	s17 =	sld [smem:$0x3FDB];
	_ =	sdelay $0x1  }
0x9d: {  	s18 =	simm.s32 $_scs_section_size  }
0x9e: {  	s5 =	simm.s32 $_size__tile_overlayer_lowered;
	s6 =	simm.s32 $_tile_overlayer_lowered  }
0x9f: {  	s21 =	simm.s32 $0x1BFF;
	s20 =	sshll.u32 s6, $0x1;
	s3 =	sadd.s32 s18, s17  }
0xa0: {  	s7 =	simm.s32 $0x0;
	s19 =	sshll.u32 s5, $0x1;
	s5 =	sadd.s32 s20, s3  }
0xa1: {  	[timem:s7], [sflag:s21] =	dma.local [hbm:s5], s19  }
0xa2: {  	_ =	swait.ge [sflag:s21], s19  }
0xa3: {  	s4 =	ssub.s32 $0x0, s19;
	[sflag:s21] =	ssyncset.done $0x0  }
0xa4: {  	[sflag:s21] =	ssyncadd.s32 s4;
	_ =	sdelay $0x1  }
0xa5: {  	s22 =	simm.s32 $0x1B8B  }
0xa6: {  	_ =	swait.ge [sflag:s22], $0x1  }
0xa7: {  	[sflag:s22] =	ssyncset.done $0x0  }
0xa8: {  	s23 =	simm.s32 $0x1B8E;
	[sflag:s22] =	ssyncadd.s32 $0xFFFFFFFF  }
0xa9: {  	s24 =	simm.s32 $execute0_lowered;
	[smem:$0x3FD2] =	sst s23  }
0xaa: {  	s4 =	sshll.u32 s24, $0x1;
	_ =	strace $0x80000046;
	[dreg:$0x1] =	wrdreg $0xFFFFFFFF  }
0xab: {  	s25 =	simm.s32 $_size_execute0_lowered;
	s3 =	sadd.s32 s3, s4;
	[dreg:$0x0] =	wrdreg $0x0  }
0xac: {  	s4 =	sshll.u32 s25, $0x1;
	[dreg:$0x2] =	wrdreg s3  }
0xad: {  	[dreg:$0x3] =	wrdreg s4  }
0xae: {  	[dreg:$0x4] =	wrdreg $0xC0  }
0xaf: {  	_ =	task [dreg:s7], $0x5FFFF  }
0xb0: {  	[dreg:$0x1] =	wrdreg $0xFFFFFFFF  }
0xb1: {  	[dreg:$0x0] =	wrdreg $0x60  }
0xb2: {  	[dreg:$0x2] =	wrdreg s14  }
0xb3: {  	[dreg:$0x3] =	wrdreg s2  }
0xb4: {  	[dreg:$0x4] =	wrdreg s15  }
0xb5: {  	[dreg:$0x5] =	wrdreg $0x9  }
0xb6: {  	_ =	task.clear_ibuf [dreg:s7], $0x6FFFF;
	_ =	strace $0x90000046  }
0xb7: {  	s26 =	simm.s32 $0x9;
	_ =	strace $0x80000048  }
0xb8: {  	_ =	swait.ge [sflag:s26], $0x1  }
0xb9: {  	[sflag:s26] =	ssyncadd.s32 $0xFFFFFFFF  }
0xba: {  	_ =	strace $0x90000048  }
0xbb: {  	_ =	sfence  }
0xbc: {  	s28 =	sld [smem:$0x0];
	_ =	sdelay $0x1  }
0xbd: {  	s29 =	srdreg.scid  }
0xbe: {  	s30 =	sshll.u32 s29, $0xD;
	s31 =	sshrl.u32 s29, $0x2  }
0xbf: {  	s1 =	sand.u32 $0x1, s29;
	s2 =	sand.u32 $0x4000, s30;
	s0 =	sadd.s32 s31, s28  }
0xc0: {  	s1 =	sor.u32 s2, s1;
	s0 =	sshll.u32 s0, $0x11  }
0xc1: {  	s0 =	sor.u32 s0, s1  }
0xc2: {  	s0 =	sadd.s32 $0x8F2B, s0  }
0xc3: {  	[sflag:s0] =	ssyncadd.remote.s32 $0x1  }
0xc4: {  	_ =	sfence.sel $0xFFFF  }
0xc5: {  	[dreg:$0x0] =	wrdreg $0xFFFFFFFF;
	(pc) =	sbr.abs _section_cstart, $3  }
0xc6: {  	[dreg:$0x1] =	wrdreg $0xFFFFFFFF  }
0xc7: {  	_ =	task.clear_ibuf [dreg:s7], $0x2FFFF;
	_ =	strace $0x9FFFFFFF  }
0xc8: {  	(tm) =	ssettm $0x7FFFFFFF  }
0xc9: {  	_ =	shalt  }
tec
execute0_lowered:
.L_overlay_start_1:
0x0: {  	(tag) =	ssettag $0x1  }
0x1: {  	s4 =	rddreg [dreg:$0x0]  }
0x2: {  	s5 =	rddreg [dreg:$0x1]  }
0x3: {  	s2 =	rddreg [dreg:$0x2];
	s3 =	simm.s32 $0x0;
	s1 =	stileid.u32  }
0x4: {  	[smem:$0x7FF] =	sst s3;
	s6 =	sshll.u32 s1, $0x8  }
0x5: {  	s0 =	rddreg [dreg:$0x3];
	_ =	strace $0x80000047;
	s4 =	sadd.s32 s4, s6  }
0x6: {  	[tilespmem:s3], [sflag:$0x2] =	stream.linear.gather [hbm4b:s4+s3], $0x800, $0x38;
	[tilespmem:$0x4880] =	vst v63  }
0x7: {  	s4 =	simm.s32 $0x2  }
0x8: {  	_ =	swait.ge [sflag:s4], $0x800  }
0x9: {  	[sflag:s4] =	ssyncset.done $0x0  }
0xa: {  	[sflag:s4] =	ssyncadd.s32 $0xFFFFF800  }
0xb: {  	v1 =	vld [tilespmem:$0x0]  }
0xc: {  	v2 =	vld [tilespmem:$0x10]  }
0xd: {  	v3 =	vld [tilespmem:$0x20]  }
0xe: {  	v4 =	vld [tilespmem:$0x30]  }
0xf: {  	v5 =	vld [tilespmem:$0x40]  }
0x10: {  	v27 =	vld [tilespmem:$0x50]  }
0x11: {  	v8 =	vld [tilespmem:$0x60]  }
0x12: {  	v9 =	vld [tilespmem:$0x70]  }
0x13: {  	v11 =	vld [tilespmem:$0x80]  }
0x14: {  	v29 =	vld [tilespmem:$0x90]  }
0x15: {  	v12 =	vld [tilespmem:$0xA0]  }
0x16: {  	v13 =	vld [tilespmem:$0xB0]  }
0x17: {  	v14 =	vld [tilespmem:$0xC0]  }
0x18: {  	v0 =	vlaneseq.u32;
	v16 =	vld [tilespmem:$0xD0]  }
0x19: {  	v6 =	vor.u32 $0x10, v0;
	v17 =	vld [tilespmem:$0xF0];
	vm0 =	veq.s32 v1, $0x9E1D;
	vm1 =	veq.s32 v2, $0x9E1D  }
0x1a: {  	v33 =	vld [tilespmem:$0x100];
	vm6 =	veq.s32 v3, $0x9E1D;
	vm7 =	veq.s32 v4, $0x9E1D;
	v3 =	vor.u32 $0x30, v0  }
0x1b: {  	v41 =	vld [tilespmem:$0x140];
	vm8 =	veq.s32 v5, $0x9E1D;
	vm9 =	veq.s32 v27, $0x9E1D;
	v1 =	vor.u32 $0x50, v0  }
0x1c: {  	v43 =	vld [tilespmem:$0x150];
	vm10 =	veq.s32 v8, $0x9E1D;
	vm11 =	veq.s32 v9, $0x9E1D;
	vm12 =	veq.s32 v11, $0x9E1D  }
0x1d: {  	v47 =	vld [tilespmem:$0x170];
	vm13 =	veq.s32 v29, $0x9E1D;
	vm14 =	veq.s32 v12, $0x9E1D;
	vm15 =	veq.s32 v13, $0x9E1D  }
0x1e: {  	v51 =	vld [tilespmem:$0x190];
	vm4 =	veq.s32 v14, $0x9E1D;
	vm5 =	veq.s32 v16, $0x9E1D;
	v28 =	vnsel vm0, $0x0, v0  }
0x1f: {  	v55 =	vld [tilespmem:$0x1B0];
	v7 =	vnsel vm1, $0x0, v6;
	v4 =	vnsel vm7, $0x0, v3;
	v30 =	vnsel vm9, $0x0, v1  }
0x20: {  	v23 =	vld [tilespmem:$0x210];
	v11 =	vnsel vm12, $0x0, v0;
	v34 =	vnsel vm13, $0x0, v6;
	v38 =	vnsel vm15, $0x0, v3  }
0x21: {  	v31 =	vld [tilespmem:$0xE0];
	v42 =	vnsel vm5, $0x0, v1;
	vm7 =	veq.s32 v33, $0x9E1D;
	vm9 =	veq.s32 v17, $0x9E1D  }
0x22: {  	v45 =	vld [tilespmem:$0x160];
	vm12 =	veq.s32 v41, $0x9E1D;
	vm13 =	veq.s32 v43, $0x9E1D;
	vm15 =	veq.s32 v47, $0x9E1D  }
0x23: {  	v35 =	vld [tilespmem:$0x110];
	vm5 =	veq.s32 v51, $0x9E1D;
	v2 =	vadd.s32 v28, v7;
	v7 =	vor.u32 $0x20, v0  }
0x24: {  	v37 =	vld [tilespmem:$0x120];
	v11 =	vadd.s32 v11, v34;
	v46 =	vnsel vm7, $0x0, v0;
	v56 =	vnsel vm13, $0x0, v1  }
0x25: {  	v49 =	vld [tilespmem:$0x180];
	v63 =	vnsel vm5, $0x0, v6;
	vm7 =	veq.s32 v55, $0x9E1D;
	vm13 =	veq.s32 v23, $0x9E1D  }
0x26: {  	v21 =	vld [tilespmem:$0x200];
	v10 =	vnsel vm6, $0x0, v7;
	v36 =	vnsel vm14, $0x0, v7;
	vm6 =	veq.s32 v31, $0x9E1D  }
0x27: {  	v39 =	vld [tilespmem:$0x130];
	vm14 =	veq.s32 v45, $0x9E1D;
	v24 =	vnsel vm7, $0x0, v3;
	v2 =	vadd.s32 v10, v2  }
0x28: {  	v57 =	vld [tilespmem:$0x1C0];
	v11 =	vadd.s32 v36, v11;
	v2 =	vadd.s32 v4, v2;
	v4 =	vor.u32 $0x40, v0  }
0x29: {  	v29 =	vld [tilespmem:$0x240];
	v11 =	vadd.s32 v38, v11;
	v5 =	vnsel vm8, $0x0, v4;
	v40 =	vnsel vm4, $0x0, v4  }
0x2a: {  	v53 =	vld [tilespmem:$0x1A0];
	vm8 =	veq.s32 v35, $0x9E1D;
	v54 =	vnsel vm12, $0x0, v4;
	vm4 =	veq.s32 v49, $0x9E1D  }
0x2b: {  	v19 =	vld [tilespmem:$0x1D0];
	vm12 =	veq.s32 v21, $0x9E1D;
	v35 =	vnsel vm13, $0x0, v6;
	v2 =	vadd.s32 v5, v2  }
0x2c: {  	v25 =	vld [tilespmem:$0x220];
	v5 =	vor.u32 $0x60, v0;
	v11 =	vadd.s32 v40, v11;
	v48 =	vnsel vm8, $0x0, v6  }
0x2d: {  	v31 =	vld [tilespmem:$0x250];
	v62 =	vnsel vm4, $0x0, v0;
	vm8 =	veq.s32 v57, $0x9E1D;
	v16 =	vnsel vm12, $0x0, v0  }
0x2e: {  	v59 =	vld [tilespmem:$0x1E0];
	vm4 =	veq.s32 v29, $0x9E1D;
	v15 =	vadd.s32 v30, v2;
	v8 =	vnsel vm10, $0x0, v5  }
0x2f: {  	v61 =	vld [tilespmem:$0x1F0];
	v2 =	vor.u32 $0x70, v0;
	v11 =	vadd.s32 v42, v11;
	v44 =	vnsel vm6, $0x0, v5  }
0x30: {  	v27 =	vld [tilespmem:$0x230];
	vm10 =	veq.s32 v37, $0x9E1D;
	v58 =	vnsel vm14, $0x0, v5;
	vm6 =	veq.s32 v53, $0x9E1D  }
0x31: {  	v33 =	vld [tilespmem:$0x260];
	v14 =	vadd.s32 v62, v63;
	v26 =	vnsel vm8, $0x0, v4;
	vm14 =	veq.s32 v25, $0x9E1D  }
0x32: {  	v34 =	vld [tilespmem:$0x270];
	v16 =	vadd.s32 v16, v35;
	v41 =	vnsel vm4, $0x0, v4;
	vm5 =	veq.s32 v31, $0x9E1D  }
0x33: {  	v36 =	vld [tilespmem:$0x280];
	v8 =	vadd.s32 v8, v15;
	v32 =	vnsel vm11, $0x0, v2;
	v11 =	vadd.s32 v44, v11  }
0x34: {  	v38 =	vld [tilespmem:$0x290];
	v15 =	vadd.s32 v46, v48;
	v50 =	vnsel vm10, $0x0, v7;
	vm11 =	veq.s32 v39, $0x9E1D  }
0x35: {  	v21 =	vld [tilespmem:$0x340];
	v18 =	vnsel vm9, $0x0, v2;
	v60 =	vnsel vm15, $0x0, v2;
	v22 =	vnsel vm6, $0x0, v7  }
0x36: {  	v40 =	vld [tilespmem:$0x2A0];
	vm9 =	veq.s32 v19, $0x9E1D;
	vm10 =	veq.s32 v59, $0x9E1D;
	v37 =	vnsel vm14, $0x0, v7  }
0x37: {  	v42 =	vld [tilespmem:$0x2B0];
	vm15 =	veq.s32 v27, $0x9E1D;
	v43 =	vnsel vm5, $0x0, v1;
	vm6 =	veq.s32 v33, $0x9E1D  }
0x38: {  	v62 =	vld [tilespmem:$0x360];
	vm7 =	veq.s32 v36, $0x9E1D;
	v8 =	vadd.s32 v32, v8;
	v15 =	vadd.s32 v50, v15  }
0x39: {  	v25 =	vld [tilespmem:$0x370];
	v52 =	vnsel vm11, $0x0, v3;
	v11 =	vadd.s32 v18, v11;
	v14 =	vadd.s32 v22, v14  }
0x3a: {  	v35 =	vld [tilespmem:$0x3A0];
	v28 =	vnsel vm9, $0x0, v1;
	v30 =	vnsel vm10, $0x0, v5;
	vm11 =	veq.s32 v61, $0x9E1D  }
0x3b: {  	v44 =	vld [tilespmem:$0x2C0];
	v16 =	vadd.s32 v37, v16;
	v39 =	vnsel vm15, $0x0, v3;
	v45 =	vnsel vm6, $0x0, v5  }
0x3c: {  	v46 =	vld [tilespmem:$0x2D0];
	v47 =	vnsel vm7, $0x0, v0;
	vm8 =	veq.s32 v38, $0x9E1D;
	vm9 =	veq.s32 v34, $0x9E1D  }
0x3d: {  	v48 =	vld [tilespmem:$0x2E0];
	v15 =	vadd.s32 v52, v15;
	v14 =	vadd.s32 v24, v14;
	v32 =	vnsel vm11, $0x0, v2  }
0x3e: {  	v33 =	vld [tilespmem:$0x390];
	v16 =	vadd.s32 v39, v16;
	v49 =	vnsel vm8, $0x0, v6;
	v20 =	vnsel vm9, $0x0, v2  }
0x3f: {  	v50 =	vld [tilespmem:$0x2F0];
	vm8 =	veq.s32 v21, $0x9E1D;
	v15 =	vadd.s32 v54, v15;
	v14 =	vadd.s32 v26, v14  }
0x40: {  	v37 =	vld [tilespmem:$0x3B0];
	v16 =	vadd.s32 v41, v16;
	vm10 =	veq.s32 v40, $0x9E1D;
	v9 =	vadd.s32 v47, v49  }
0x41: {  	v22 =	vld [tilespmem:$0x5D0];
	v29 =	vnsel vm8, $0x0, v4;
	v15 =	vadd.s32 v56, v15;
	v14 =	vadd.s32 v28, v14  }
0x42: {  	v52 =	vld [tilespmem:$0x300];
	v16 =	vadd.s32 v43, v16;
	v51 =	vnsel vm10, $0x0, v7;
	vm11 =	veq.s32 v42, $0x9E1D  }
0x43: {  	v39 =	vld [tilespmem:$0x3C0];
	vm10 =	veq.s32 v62, $0x9E1D;
	v15 =	vadd.s32 v58, v15;
	v14 =	vadd.s32 v30, v14  }
0x44: {  	v54 =	vld [tilespmem:$0x310];
	v16 =	vadd.s32 v45, v16;
	v9 =	vadd.s32 v51, v9;
	v53 =	vnsel vm11, $0x0, v3  }
0x45: {  	v41 =	vld [tilespmem:$0x3D0];
	vm12 =	veq.s32 v44, $0x9E1D;
	vm13 =	veq.s32 v46, $0x9E1D;
	vm14 =	veq.s32 v48, $0x9E1D  }
0x46: {  	v47 =	vld [tilespmem:$0x400];
	v31 =	vnsel vm10, $0x0, v5;
	vm11 =	veq.s32 v25, $0x9E1D;
	v15 =	vadd.s32 v60, v15  }
0x47: {  	v56 =	vld [tilespmem:$0x320];
	v14 =	vadd.s32 v32, v14;
	v9 =	vadd.s32 v53, v9;
	v55 =	vnsel vm12, $0x0, v4  }
0x48: {  	(xrf0) =	vadd.scan.msk.s32 $0xffff, v8;
	v43 =	vld [tilespmem:$0x3E0];
	v57 =	vnsel vm13, $0x0, v1;
	v59 =	vnsel vm14, $0x0, v5;
	v16 =	vadd.s32 v20, v16  }
0x49: {  	v58 =	vld [tilespmem:$0x330];
	vm15 =	veq.s32 v50, $0x9E1D;
	v10 =	vnsel vm11, $0x0, v2;
	vm13 =	veq.s32 v33, $0x9E1D  }
0x4a: {  	(xrf0) =	vadd.scan.msk.s32 $0xffff, v11;
	v45 =	vld [tilespmem:$0x3F0];
	vm14 =	veq.s32 v35, $0x9E1D;
	v9 =	vadd.s32 v55, v9;
	v61 =	vnsel vm15, $0x0, v2  }
0x4b: {  	v48 =	vld [tilespmem:$0x410];
	vm4 =	veq.s32 v52, $0x9E1D;
	v50 =	vnsel vm13, $0x0, v6;
	v52 =	vnsel vm14, $0x0, v7  }
0x4c: {  	v51 =	vld [tilespmem:$0x420];
	vm15 =	veq.s32 v37, $0x9E1D;
	v9 =	vadd.s32 v57, v9;
	vm5 =	veq.s32 v54, $0x9E1D  }
0x4d: {  	v60 =	vld [tilespmem:$0x350];
	v63 =	vnsel vm4, $0x0, v0;
	v54 =	vnsel vm15, $0x0, v3;
	vm4 =	veq.s32 v39, $0x9E1D  }
0x4e: {  	v32 =	vld [tilespmem:$0x380];
	v34, _, _ =	vpop (xrf0);
	v9 =	vadd.s32 v59, v9;
	v24 =	vnsel vm5, $0x0, v6;
	vm6 =	veq.s32 v56, $0x9E1D  }
0x4f: {  	v53 =	vld [tilespmem:$0x430];
	(v2sf) =	vpush v34, $0xF;
	v56 =	vnsel vm4, $0x0, v4;
	vm5 =	veq.s32 v41, $0x9E1D  }
0x50: {  	v33 =	vld [tilespmem:$0x4D0];
	v36, _, _ =	vpop (xrf0);
	v18 =	vadd.s32 v63, v24;
	v26 =	vnsel vm6, $0x0, v7;
	vm7 =	veq.s32 v58, $0x9E1D  }
0x51: {  	v55 =	vld [tilespmem:$0x440];
	v9 =	vadd.s32 v61, v9;
	(v2sf) =	vpush v36, $0xF;
	v58 =	vnsel vm5, $0x0, v1  }
0x52: {  	v57 =	vld [tilespmem:$0x450];
	vm6 =	veq.s32 v43, $0x9E1D;
	vm8 =	veq.s32 v48, $0x9E1D;
	vm10 =	veq.s32 v51, $0x9E1D  }
0x53: {  	(xrf0) =	vadd.scan.msk.s32 $0xffff, v15;
	v59 =	vld [tilespmem:$0x460];
	v27 =	vadd.s32 v26, v18;
	v28 =	vnsel vm7, $0x0, v3;
	vm9 =	veq.s32 v60, $0x9E1D  }
0x54: {  	v41 =	vld [tilespmem:$0x510];
	vm12 =	veq.s32 v32, $0x9E1D;
	v60 =	vnsel vm6, $0x0, v5;
	vm7 =	veq.s32 v47, $0x9E1D  }
0x55: {  	(xrf0) =	vadd.scan.msk.s32 $0xffff, v14;
	v61 =	vld [tilespmem:$0x470];
	v23 =	vnsel vm8, $0x0, v6;
	v26 =	vnsel vm10, $0x0, v7;
	vm11 =	veq.s32 v53, $0x9E1D  }
0x56: {  	v63 =	vld [tilespmem:$0x480];
	v8 =	vadd.s32 v28, v27;
	v30 =	vnsel vm9, $0x0, v1;
	v49 =	vnsel vm12, $0x0, v0  }
0x57: {  	v24 =	vld [tilespmem:$0x490];
	v62 =	vnsel vm7, $0x0, v0;
	vm9 =	veq.s32 v45, $0x9E1D;
	v28 =	vnsel vm11, $0x0, v3  }
0x58: {  	(xrf0) =	vadd.scan.msk.s32 $0xffff, v16;
	v36 =	vld [tilespmem:$0x4E0];
	vm12 =	veq.s32 v55, $0x9E1D;
	v8 =	vadd.s32 v29, v8;
	v25 =	vadd.s32 v62, v23  }
0x59: {  	v43 =	vld [tilespmem:$0x520];
	v38, _, _ =	vpop (xrf0);
	vm13 =	veq.s32 v57, $0x9E1D;
	v34 =	vnsel vm9, $0x0, v2;
	vm9 =	veq.s32 v33, $0x9E1D  }
0x5a: {  	v47 =	vld [tilespmem:$0x540];
	v8 =	vadd.s32 v30, v8;
	(v2sf) =	vpush v38, $0xF;
	v30 =	vnsel vm12, $0x0, v4  }
0x5b: {  	v53 =	vld [tilespmem:$0x570];
	v40, _, _ =	vpop (xrf0);
	v32 =	vnsel vm13, $0x0, v1;
	vm14 =	veq.s32 v59, $0x9E1D;
	v48 =	vnsel vm9, $0x0, v1  }
0x5c: {  	v27 =	vld [tilespmem:$0x4A0];
	vm13 =	veq.s32 v41, $0x9E1D;
	v8 =	vadd.s32 v31, v8;
	(v2sf) =	vpush v40, $0xF  }
0x5d: {  	(xrf0) =	vadd.scan.msk.s32 $0xffff, v9;
	v45 =	vld [tilespmem:$0x530];
	v35 =	vnsel vm14, $0x0, v5;
	vm15 =	veq.s32 v61, $0x9E1D;
	vm4 =	veq.s32 v63, $0x9E1D  }
0x5e: {  	v29 =	vld [tilespmem:$0x4B0];
	v42, _, _ =	vpop (xrf0);
	vm5 =	veq.s32 v24, $0x9E1D;
	vm10 =	veq.s32 v36, $0x9E1D;
	vm14 =	veq.s32 v43, $0x9E1D  }
0x5f: {  	v57 =	vld [tilespmem:$0x590];
	v8 =	vadd.s32 v10, v8;
	(v2sf) =	vpush v42, $0xF;
	v10 =	vadd.s32 v49, v50  }
0x60: {  	v38 =	vld [tilespmem:$0x4F0];
	v39 =	vnsel vm15, $0x0, v2;
	v9 =	vnsel vm4, $0x0, v0;
	v18 =	vnsel vm5, $0x0, v6  }
0x61: {  	v59 =	vld [tilespmem:$0x5A0];
	v20 =	vnsel vm10, $0x0, v5;
	vm4 =	veq.s32 v47, $0x9E1D;
	vm9 =	veq.s32 v53, $0x9E1D  }
0x62: {  	v31 =	vld [tilespmem:$0x4C0];
	(xrf0) =	vadd.scan.msk.s32 $0xffff, v8;
	v10 =	vadd.s32 v52, v10;
	v8 =	vadd.s32 v26, v25;
	vm6 =	veq.s32 v27, $0x9E1D  }
0x63: {  	v40 =	vld [tilespmem:$0x500];
	v44, _, _ =	vpop (xrf0);
	v9 =	vadd.s32 v9, v18;
	vm15 =	veq.s32 v45, $0x9E1D;
	v62 =	vnsel vm4, $0x0, v4  }
0x64: {  	v61 =	vld [tilespmem:$0x5B0];
	(v2sf) =	vpush v44, $0xF;
	v10 =	vadd.s32 v54, v10;
	v8 =	vadd.s32 v28, v8  }
0x65: {  	v63 =	vld [tilespmem:$0x5C0];
	v42 =	vnsel vm6, $0x0, v7;
	vm7 =	veq.s32 v29, $0x9E1D;
	v10 =	vadd.s32 v56, v10  }
0x66: {  	v24 =	vld [tilespmem:$0x5E0];
	v8 =	vadd.s32 v30, v8;
	v9 =	vadd.s32 v42, v9;
	v44 =	vnsel vm7, $0x0, v3  }
0x67: {  	v49 =	vld [tilespmem:$0x550];
	vm11 =	veq.s32 v38, $0x9E1D;
	v56 =	vnsel vm13, $0x0, v6;
	vm10 =	veq.s32 v59, $0x9E1D  }
0x68: {  	v50 =	vld [tilespmem:$0x560];
	vm13 =	veq.s32 v22, $0x9E1D;
	v10 =	vadd.s32 v58, v10;
	v11 =	vadd.s32 v32, v8  }
0x69: {  	v47 =	vld [tilespmem:$0x690];
	vm8 =	veq.s32 v31, $0x9E1D;
	v9 =	vadd.s32 v44, v9;
	v52 =	vnsel vm11, $0x0, v2  }
0x6a: {  	v26 =	vld [tilespmem:$0x5F0];
	vm12 =	veq.s32 v40, $0x9E1D;
	v58 =	vnsel vm14, $0x0, v7;
	v29 =	vnsel vm10, $0x0, v7  }
0x6b: {  	v45 =	vld [tilespmem:$0x680];
	vm11 =	veq.s32 v61, $0x9E1D;
	vm14 =	veq.s32 v24, $0x9E1D;
	v10 =	vadd.s32 v60, v10  }
0x6c: {  	v54 =	vld [tilespmem:$0x580];
	v37 =	vadd.s32 v35, v11;
	v55 =	vnsel vm12, $0x0, v0;
	v60 =	vnsel vm15, $0x0, v3  }
0x6d: {  	v28 =	vld [tilespmem:$0x600];
	vm5 =	veq.s32 v49, $0x9E1D;
	vm6 =	veq.s32 v50, $0x9E1D;
	v31 =	vnsel vm11, $0x0, v3  }
0x6e: {  	v36 =	vld [tilespmem:$0x640];
	vm12 =	veq.s32 v63, $0x9E1D;
	v35 =	vnsel vm13, $0x0, v1;
	v38 =	vnsel vm14, $0x0, v5  }
0x6f: {  	v30 =	vld [tilespmem:$0x610];
	vm13 =	veq.s32 v47, $0x9E1D;
	v8 =	vadd.s32 v34, v10;
	v16 =	vadd.s32 v55, v56  }
0x70: {  	v42 =	vld [tilespmem:$0x670];
	v21 =	vnsel vm5, $0x0, v1;
	v23 =	vnsel vm6, $0x0, v5;
	v33 =	vnsel vm12, $0x0, v4  }
0x71: {  	v53 =	vld [tilespmem:$0x6C0];
	vm15 =	veq.s32 v26, $0x9E1D;
	vm12 =	veq.s32 v45, $0x9E1D;
	v16 =	vadd.s32 v58, v16  }
0x72: {  	v32 =	vld [tilespmem:$0x620];
	v46, _, _ =	vpop (xrf0);
	vm7 =	veq.s32 v54, $0x9E1D;
	v41 =	vnsel vm15, $0x0, v2;
	vm4 =	veq.s32 v28, $0x9E1D  }
0x73: {  	v40 =	vld [tilespmem:$0x660];
	v59 =	vnsel vm12, $0x0, v0;
	(v2sf) =	vpush v46, $0xF;
	v46 =	vnsel vm8, $0x0, v4  }
0x74: {  	v16 =	vadd.s32 v60, v16;
	v25 =	vnsel vm7, $0x0, v0;
	vm8 =	veq.s32 v57, $0x9E1D  }
0x75: {  	v61 =	vld [tilespmem:$0x700];
	vm5 =	veq.s32 v30, $0x9E1D;
	v43 =	vnsel vm4, $0x0, v0;
	vm11 =	veq.s32 v42, $0x9E1D  }
0x76: {  	v24 =	vld [tilespmem:$0x720];
	v60 =	vnsel vm13, $0x0, v6;
	vm4 =	veq.s32 v53, $0x9E1D;
	v9 =	vadd.s32 v46, v9  }
0x77: {  	v49 =	vld [tilespmem:$0x6A0];
	v16 =	vadd.s32 v62, v16;
	v27 =	vnsel vm8, $0x0, v6;
	v44 =	vnsel vm5, $0x0, v6  }
0x78: {  	v63 =	vld [tilespmem:$0x710];
	vm6 =	veq.s32 v32, $0x9E1D;
	vm8 =	veq.s32 v36, $0x9E1D;
	vm10 =	veq.s32 v40, $0x9E1D  }
0x79: {  	v34 =	vld [tilespmem:$0x630];
	v56 =	vnsel vm11, $0x0, v2;
	v18 =	vadd.s32 v48, v9;
	v9 =	vadd.s32 v39, v37  }
0x7a: {  	v55 =	vld [tilespmem:$0x6D0];
	v16 =	vadd.s32 v21, v16;
	v17 =	vadd.s32 v25, v27;
	v37 =	vnsel vm9, $0x0, v2  }
0x7b: {  	v26 =	vld [tilespmem:$0x730];
	v15 =	vadd.s32 v43, v44;
	v46 =	vnsel vm6, $0x0, v7;
	v50 =	vnsel vm8, $0x0, v4  }
0x7c: {  	v45 =	vld [tilespmem:$0x7E0];
	v54 =	vnsel vm10, $0x0, v5;
	vm14 =	veq.s32 v49, $0x9E1D;
	v25 =	vnsel vm4, $0x0, v4  }
0x7d: {  	v28 =	vld [tilespmem:$0x740];
	vm8 =	veq.s32 v63, $0x9E1D;
	vm10 =	veq.s32 v24, $0x9E1D;
	v51 =	vadd.s32 v20, v18  }
0x7e: {  	v57 =	vld [tilespmem:$0x6E0];
	v16 =	vadd.s32 v23, v16;
	v17 =	vadd.s32 v29, v17;
	vm7 =	veq.s32 v34, $0x9E1D  }
0x7f: {  	v30 =	vld [tilespmem:$0x750];
	v15 =	vadd.s32 v46, v15;
	v18 =	vadd.s32 v59, v60;
	v62 =	vnsel vm14, $0x0, v7  }
0x80: {  	v42 =	vld [tilespmem:$0x770];
	vm5 =	veq.s32 v55, $0x9E1D;
	vm11 =	veq.s32 v26, $0x9E1D;
	v10 =	vadd.s32 v52, v51  }
0x81: {  	v32 =	vld [tilespmem:$0x780];
	v17 =	vadd.s32 v31, v17;
	v16 =	vadd.s32 v37, v16;
	v48 =	vnsel vm7, $0x0, v3  }
0x82: {  	v36 =	vld [tilespmem:$0x7A0];
	v18 =	vadd.s32 v62, v18;
	v27 =	vnsel vm5, $0x0, v1;
	vm7 =	veq.s32 v61, $0x9E1D  }
0x83: {  	v40 =	vld [tilespmem:$0x7C0];
	v37 =	vnsel vm11, $0x0, v3;
	vm12 =	veq.s32 v28, $0x9E1D;
	v17 =	vadd.s32 v33, v17  }
0x84: {  	v39 =	vld [tilespmem:$0x650];
	v15 =	vadd.s32 v48, v15;
	vm6 =	veq.s32 v57, $0x9E1D;
	v31 =	vnsel vm7, $0x0, v0  }
0x85: {  	v33 =	vnsel vm8, $0x0, v6;
	vm13 =	veq.s32 v30, $0x9E1D;
	vm8 =	veq.s32 v42, $0x9E1D  }
0x86: {  	v51 =	vld [tilespmem:$0x6B0];
	v17 =	vadd.s32 v35, v17;
	v15 =	vadd.s32 v50, v15;
	v29 =	vnsel vm6, $0x0, v5  }
0x87: {  	v11 =	vadd.s32 v31, v33;
	v35 =	vnsel vm10, $0x0, v7;
	vm14 =	veq.s32 v32, $0x9E1D  }
0x88: {  	v58 =	vld [tilespmem:$0x6F0];
	vm4 =	veq.s32 v36, $0x9E1D;
	vm7 =	veq.s32 v40, $0x9E1D;
	vm10 =	veq.s32 v45, $0x9E1D  }
0x89: {  	v46 =	vld [tilespmem:$0x7F0];
	v48 =	vnsel vm8, $0x0, v2;
	v17 =	vadd.s32 v38, v17;
	vm9 =	veq.s32 v39, $0x9E1D  }
0x8a: {  	v44 =	vld [tilespmem:$0x7D0];
	v11 =	vadd.s32 v35, v11;
	v39 =	vnsel vm12, $0x0, v4;
	v43 =	vnsel vm14, $0x0, v0  }
0x8b: {  	v34 =	vld [tilespmem:$0x790];
	v7 =	vnsel vm4, $0x0, v7;
	v4 =	vnsel vm7, $0x0, v4;
	vm15 =	veq.s32 v51, $0x9E1D  }
0x8c: {  	v49 =	vnsel vm10, $0x0, v5;
	v52 =	vnsel vm9, $0x0, v1;
	v23 =	vnsel vm15, $0x0, v3  }
0x8d: {  	v17 =	vadd.s32 v41, v17;
	vm9 =	veq.s32 v58, $0x9E1D;
	v18 =	vadd.s32 v23, v18;
	v23 =	vld [tilespmem:$0x7B0]  }
0x8e: {  	v11 =	vadd.s32 v37, v11;
	v41 =	vnsel vm13, $0x0, v1;
	vm11 =	veq.s32 v46, $0x9E1D  }
0x8f: {  	v38 =	vld [tilespmem:$0x760];
	v15 =	vadd.s32 v52, v15;
	v22 =	vnsel vm9, $0x0, v2;
	v11 =	vadd.s32 v39, v11  }
0x90: {  	vm9 =	veq.s32 v44, $0x9E1D;
	v15 =	vadd.s32 v54, v15;
	vm15 =	veq.s32 v34, $0x9E1D  }
0x91: {  	(xrf0) =	vadd.scan.msk.s32 $0xffff, v8;
	v11 =	vadd.s32 v41, v11;
	v1 =	vnsel vm9, $0x0, v1;
	v6 =	vnsel vm15, $0x0, v6  }
0x92: {  	(xrf0) =	vadd.scan.msk.s32 $0xffff, v9;
	v15 =	vadd.s32 v56, v15;
	v6 =	vadd.s32 v43, v6;
	vm6 =	veq.s32 v23, $0x9E1D  }
0x93: {  	(xrf0) =	vadd.scan.msk.s32 $0xffff, v10;
	v18 =	vadd.s32 v25, v18;
	v6 =	vadd.s32 v7, v6;
	v3 =	vnsel vm6, $0x0, v3  }
0x94: {  	(xrf0) =	vadd.scan.msk.s32 $0xffff, v16;
	vm5 =	veq.s32 v38, $0x9E1D;
	v18 =	vadd.s32 v27, v18;
	v3 =	vadd.s32 v3, v6  }
0x95: {  	(xrf0) =	vadd.scan.msk.s32 $0xffff, v17;
	v47 =	vnsel vm5, $0x0, v5;
	v18 =	vadd.s32 v29, v18;
	v3 =	vadd.s32 v4, v3  }
0x96: {  	(xrf0) =	vadd.scan.msk.s32 $0xffff, v15;
	v8 =	vadd.s32 v47, v11;
	v18 =	vadd.s32 v22, v18;
	v1 =	vadd.s32 v1, v3  }
0x97: {  	v50, _, _ =	vpop (xrf0);
	v2 =	vnsel vm11, $0x0, v2;
	(xrf0) =	vadd.scan.msk.s32 $0xffff, v18;
	v4 =	vadd.s32 v48, v8;
	v1 =	vadd.s32 v49, v1  }
0x98: {  	(v2sf) =	vpush v50, $0xF;
	v51, _, _ =	vpop (xrf0);
	(xrf0) =	vadd.scan.msk.s32 $0xffff, v4;
	v1 =	vadd.s32 v2, v1  }
0x99: {  	(v2sf) =	vpush v51, $0xF;
	v52, _, _ =	vpop (xrf0);
	(xrf0) =	vadd.scan.msk.s32 $0xffff, v1  }
0x9a: {  	v53, _, _ =	vpop (xrf0);
	(v2sf) =	vpush v52, $0xF  }
0x9b: {  	(v2sf) =	vpush v53, $0xF;
	v54, _, _ =	vpop (xrf0)  }
0x9c: {  	(v2sf) =	vpush v54, $0xF;
	v55, _, _ =	vpop (xrf0)  }
0x9d: {  	(v2sf) =	vpush v55, $0xF;
	v56, _, _ =	vpop (xrf0)  }
0x9e: {  	(v2sf) =	vpush v56, $0xF;
	v57, _, _ =	vpop (xrf0)  }
0x9f: {  	(v2sf) =	vpush v57, $0xF;
	v58, _, _ =	vpop (xrf0)  }
0xa0: {  	s7 =	spop (v2sf);
	(v2sf) =	vpush v58, $0xF  }
0xa1: {  	s8 =	spop (v2sf)  }
0xa2: {  	s9 =	spop (v2sf)  }
0xa3: {  	s10 =	spop (v2sf)  }
0xa4: {  	s11 =	spop (v2sf)  }
0xa5: {  	s12 =	spop (v2sf)  }
0xa6: {  	s13 =	spop (v2sf)  }
0xa7: {  	s14 =	spop (v2sf)  }
0xa8: {  	s15 =	spop (v2sf)  }
0xa9: {  	s16 =	spop (v2sf)  }
0xaa: {  	s17 =	spop (v2sf)  }
0xab: {  	s18 =	spop (v2sf)  }
0xac: {  	s19 =	spop (v2sf)  }
0xad: {  	s20 =	spop (v2sf)  }
0xae: {  	s21 =	spop (v2sf)  }
0xaf: {  	s6 =	sshll.u32 s1, $0xB;
	s22 =	spop (v2sf)  }
0xb0: {  	s22 =	sadd.s32 s6, s22  }
0xb1: {  	s22 =	sadd.s32 $0x780, s22  }
0xb2: {  	s7 =	sadd.s32 s6, s7;
	s8 =	sadd.s32 s6, s8;
	vm12 =	vcmask $0x300;
	v59 =	vmov s22  }
0xb3: {  	s8 =	sadd.s32 $0x80, s8;
	s9 =	sadd.s32 s6, s9;
	vm13 =	vcmask $0x704;
	v1 =	vsel vm12, s7, v59  }
0xb4: {  	s28 =	sadd.s32 $0x100, s9;
	s29 =	sadd.s32 s6, s10;
	vm14 =	vcmask $0xB08;
	v1 =	vsel vm13, s8, v1  }
0xb5: {  	s30 =	sadd.s32 $0x180, s29;
	s31 =	sadd.s32 s6, s11;
	vm15 =	vcmask $0xF0C;
	v1 =	vsel vm14, s28, v1  }
0xb6: {  	vm4 =	vcmask $0x1310;
	s10 =	sadd.s32 $0x200, s31;
	s11 =	sadd.s32 s6, s12;
	v1 =	vsel vm15, s30, v1  }
0xb7: {  	s12 =	sadd.s32 $0x280, s11;
	vm5 =	vcmask $0x1714;
	s22 =	sadd.s32 s6, s13;
	v1 =	vsel vm4, s10, v1  }
0xb8: {  	vm6 =	vcmask $0x1B18;
	s24 =	sadd.s32 s6, s14;
	s23 =	sadd.s32 $0x300, s22;
	v1 =	vsel vm5, s12, v1  }
0xb9: {  	vm7 =	vcmask $0x1F1C;
	s25 =	sadd.s32 $0x380, s24;
	s26 =	sadd.s32 s6, s15;
	v1 =	vsel vm6, s23, v1  }
0xba: {  	vm8 =	vcmask $0x2320;
	s29 =	sadd.s32 s6, s16;
	s28 =	sadd.s32 $0x400, s26;
	v1 =	vsel vm7, s25, v1  }
0xbb: {  	vm9 =	vcmask $0x2724;
	s31 =	sadd.s32 s6, s17;
	s30 =	sadd.s32 $0x480, s29;
	v1 =	vsel vm8, s28, v1  }
0xbc: {  	vm10 =	vcmask $0x2B28;
	s11 =	sadd.s32 s6, s18;
	s10 =	sadd.s32 $0x500, s31;
	v1 =	vsel vm9, s30, v1  }
0xbd: {  	vm11 =	vcmask $0x2F2C;
	s13 =	sadd.s32 s6, s19;
	s12 =	sadd.s32 $0x580, s11;
	v1 =	vsel vm10, s10, v1  }
0xbe: {  	s15 =	sadd.s32 s6, s20;
	s14 =	sadd.s32 $0x600, s13;
	vm12 =	vcmask $0x3330;
	v1 =	vsel vm11, s12, v1  }
0xbf: {  	s16 =	sadd.s32 $0x680, s15;
	s17 =	sadd.s32 s6, s21;
	vm13 =	vcmask $0x3734;
	v1 =	vsel vm12, s14, v1  }
0xc0: {  	s18 =	sadd.s32 $0x700, s17;
	vm14 =	vcmask $0x3B38;
	v1 =	vsel vm13, s16, v1  }
0xc1: {  	v1 =	vsel vm14, s18, v1  }
0xc2: {  	v60 =	vshll.u32 v1, $0x3  }
0xc3: {  	v61 =	vand.u32 $0x7, v1;
	v2 =	vand.u32 $0xFFFFFFC0, v60  }
0xc4: {  	v63 =	vshrl.u32 v0, $0x3;
	v62 =	vand.u32 $0x7, v0;
	v2 =	vor.u32 v61, v2  }
0xc5: {  	v4 =	vmul.u32 $0x8, v63;
	v3 =	vperm.xlane v2, v62;
	_ =	sdelay $0x1  }
0xc6: {  	v3 =	vadd.s32 v4, v3;
	_ =	sdelay $0x3  }
0xc7: {  	s19 =	simm.s32 $0x880;
	vm15 =	vmmov $0xffff;
	[tilespmem:$0x800] =	vst v1  }
0xc8: {  	v0 =	vor.u32 $0x8, v0;
	[tilespmem:s19], [sflag:$0x1] =	stream.indirect_vreg.gather [hbm4b:s5+s3], $0x80, v3, vm15, $0xb8;
	[tilespmem:$0x4880] =	vst v63  }
0xc9: {  	s20 =	sadd.s32 $0x100, s5;
	s21 =	simm.s32 $0x1080;
	v0 =	vperm.xlane v2, v0  }
0xca: {  	[tilespmem:s21], [sflag:$0x1] =	stream.indirect_vreg.gather [hbm4b:s20+s3], $0x80, v3, vm15, $0xb8;
	[tilespmem:$0x4880] =	vst v63  }
0xcb: {  	s22 =	sadd.s32 $0x200, s5;
	s23 =	simm.s32 $0x1880;
	v0 =	vadd.s32 v4, v0  }
0xcc: {  	[tilespmem:s23], [sflag:$0x1] =	stream.indirect_vreg.gather [hbm4b:s22+s3], $0x80, v3, vm15, $0xb8;
	[tilespmem:$0x4880] =	vst v63  }
0xcd: {  	s24 =	sadd.s32 $0x300, s5;
	s25 =	simm.s32 $0x2080  }
0xce: {  	[tilespmem:s25], [sflag:$0x1] =	stream.indirect_vreg.gather [hbm4b:s24+s3], $0x80, v3, vm15, $0xb8;
	[tilespmem:$0x4880] =	vst v63  }
0xcf: {  	s26 =	simm.s32 $0x2880  }
0xd0: {  	[tilespmem:s26], [sflag:$0x1] =	stream.indirect_vreg.gather [hbm4b:s5+s3], $0x80, v0, vm15, $0xb8;
	[tilespmem:$0x4880] =	vst v63  }
0xd1: {  	s28 =	simm.s32 $0x3080  }
0xd2: {  	[tilespmem:s28], [sflag:$0x1] =	stream.indirect_vreg.gather [hbm4b:s20+s3], $0x80, v0, vm15, $0xb8;
	[tilespmem:$0x4880] =	vst v63  }
0xd3: {  	s29 =	simm.s32 $0x3880  }
0xd4: {  	[tilespmem:s29], [sflag:$0x1] =	stream.indirect_vreg.gather [hbm4b:s22+s3], $0x80, v0, vm15, $0xb8;
	[tilespmem:$0x4880] =	vst v63  }
0xd5: {  	s31 =	simm.s32 $0x1;
	s30 =	simm.s32 $0x4080  }
0xd6: {  	[tilespmem:s30], [sflag:$0x1] =	stream.indirect_vreg.gather [hbm4b:s24+s3], $0x80, v0, vm15, $0xb8;
	[tilespmem:$0x4880] =	vst v63  }
0xd7: {  	_ =	swait.ge [sflag:s31], $0x4000  }
0xd8: {  	[sflag:s31] =	ssyncset.done $0x0  }
0xd9: {  	s2 =	sadd.s32 s2, s6;
	[sflag:s31] =	ssyncadd.s32 $0xFFFFC000  }
0xda: {  	[hbm4b:s2+s3] =	stream.linear.scatter [tilespmem:s19], [sflag:$0x2], $0x4000, $0x38;
	[tilespmem:$0x4880] =	vst v63  }
0xdb: {  	_ =	swait.ge [sflag:s4], $0x4000  }
0xdc: {  	[sflag:s4] =	ssyncset.done $0x0  }
0xdd: {  	[sflag:s4] =	ssyncadd.s32 $0xFFFFC000  }
0xde: {  	_ =	sfence.sel $0x180000  }
0xdf: {  	[bflag:$0x0] =	sbarrier.arrive $0xFFFF  }
0xe0: {  	p0 =	sne.s32 s1, $0x0;
	_ =	strace $0x90000047  }
0xe1: {  	s0 =	sadd.s32 @!p0 $0x100000, s0;
	[bflag:$0x2] =	sbarrier.arrive $0xFFFF  }
0xe2: {  	[sflag:s0] =	ssyncadd.tile.s32 @!p0 $0x1;
	_ =	shalt  }
.Lfunc_end2:
_tile_overlayer_lowered:
.L_overlay_start_2:
0xe3: {  	(tag) =	ssettag $0x2  }
0xe4: {  	s0 =	rddreg [dreg:$0x0];
	s2 =	stileid.u32  }
0xe5: {  	s1 =	rddreg [dreg:$0x1];
	p0 =	sne.s32 s2, $0x0  }
0xe6: {  	s3 =	rddreg [dreg:$0x2];
	[bflag:$0x3] =	sbarrier.arrive $0xFFFF;
	s2 =	simm.s32 @!p0 $0x1C02  }
0xe7: {  	[timem:s3], [sflag:s2] =	dma.local @!p0 [hbm:s0], s1  }
0xe8: {  	s0 =	simm.s32 @!p0 $0x2  }
0xe9: {  	_ =	swait.ge @!p0 [sflag:s0], s1  }
0xea: {  	s1 =	ssub.s32 @!p0 $0x0, s1;
	[sflag:s0] =	ssyncset.done @!p0 $0x0  }
0xeb: {  	[sflag:s0] =	ssyncadd.s32 @!p0 s1  }
0xec: {  	[bflag:$0x3] =	sbarrier.arrive $0xFFFF  }
0xed: {  	_ =	shalt  }

</sc_bundles>
